<compile_context>
chip_gen: v7x
topology: tpu7x:2x2x1
jax: 0.10.2.dev20260603
libtpu: 0.0.44.dev20260713+nightly
codegen_flags: <defaults>
</compile_context>

<pallas_src>
import functools

import jax
import jax.numpy as jnp
from jax import lax
from jax.experimental import pallas as pl
from jax.experimental.pallas import tpu as pltpu
from jax.experimental.pallas import tpu_sc as plsc

_LANES = 16
_NW = 32
_NC = 2
_CHUNK = 80
_RING = 2


@functools.partial(jax.jit, static_argnames=("n_edges", "n_chunks"))
def _decode(z, src3d, dst3d, *, n_edges, n_chunks):
    mesh = plsc.VectorSubcoreMesh(core_axis_name="c", subcore_axis_name="s")

    @functools.partial(
        pl.kernel,
        mesh=mesh,
        compiler_params=pltpu.CompilerParams(needs_layout_passes=False,
                                             use_tc_tiling_on_sc=False),
        out_type=jax.ShapeDtypeStruct((_NW, n_chunks, _CHUNK), jnp.float32),
        scratch_types=dict(
            src_idx=pltpu.VMEM((n_chunks, _CHUNK), jnp.int32),
            dst_idx=pltpu.VMEM((n_chunks, _CHUNK), jnp.int32),
            z_sh=pltpu.VMEM_SHARED((10000, 64), jnp.int32),
            rs_bufs=[pltpu.VMEM((_CHUNK, 64), jnp.int32) for _ in range(_RING)],
            rd_bufs=[pltpu.VMEM((_CHUNK, 64), jnp.int32) for _ in range(_RING)],
            out_bufs=[pltpu.VMEM((_CHUNK,), jnp.float32) for _ in range(_RING)],
            sems=[pltpu.SemaphoreType.DMA for _ in range(_RING)],
            osems=[pltpu.SemaphoreType.DMA for _ in range(_RING)],
        ),
    )
    def body(z_hbm, src_hbm, dst_hbm, out_hbm,
             src_idx, dst_idx, z_sh, rs_bufs, rd_bufs, out_bufs, sems, osems):
        sid = lax.axis_index("s")
        wid = sid * _NC + lax.axis_index("c")
        n_stripe = z_hbm.shape[0] // 16

        pltpu.sync_copy(z_hbm.at[pl.ds(sid * n_stripe, n_stripe)],
                        z_sh.at[pl.ds(sid * n_stripe, n_stripe)])
        pltpu.sync_copy(src_hbm.at[wid], src_idx)
        pltpu.sync_copy(dst_hbm.at[wid], dst_idx)
        plsc.subcore_barrier()

        def issue(l, b):
            pltpu.async_copy(z_sh.at[src_idx.at[l]], rs_bufs[b], sems[b])
            pltpu.async_copy(z_sh.at[dst_idx.at[l]], rd_bufs[b], sems[b])

        def drain(l, b):
            pltpu.make_async_copy(z_sh.at[src_idx.at[l]], rs_bufs[b],
                                  sems[b]).wait()
            pltpu.make_async_copy(z_sh.at[dst_idx.at[l]], rd_bufs[b],
                                  sems[b]).wait()

        def issue_out(l, b):
            pltpu.async_copy(out_bufs[b], out_hbm.at[wid, l], osems[b])

        def drain_out(b):
            pltpu.make_async_copy(out_bufs[b], out_hbm.at[wid, 0],
                                  osems[b]).wait()

        def compute(l, rs, rd, b):
            out_row = out_bufs[b]
            zero = jnp.zeros((_LANES,), jnp.float32)
            iota = lax.iota(jnp.int32, _LANES)

            def group(g, gcarry):
                row = jnp.full((_LANES,), g * _LANES, jnp.int32) + iota

                def dstep(i, accs):
                    a0, a1, a2, a3 = accs
                    cb = jnp.full((_LANES,), i * 16, jnp.int32) + iota
                    prods = []
                    for k in range(16):
                        col = (cb + k) & 63
                        s = plsc.load_gather(rs, [row, col])
                        t = plsc.load_gather(rd, [row, col])
                        p = (plsc.bitcast(s, jnp.bfloat16)
                             * plsc.bitcast(t, jnp.bfloat16))
                        p0, p1 = plsc.unpack(p, format=plsc.PackFormat.INTERLEAVED)
                        prods.append(p0 + p1)
                    for k in range(0, 16, 4):
                        a0 = a0 + prods[k]
                        a1 = a1 + prods[k + 1]
                        a2 = a2 + prods[k + 2]
                        a3 = a3 + prods[k + 3]
                    return a0, a1, a2, a3

                a0, a1, a2, a3 = lax.fori_loop(0, 64 // 16, dstep,
                                               (zero, zero, zero, zero))
                acc = (a0 + a1) + (a2 + a3)
                out_row[pl.ds(g * _LANES, _LANES)] = 1.0 / (1.0 + jnp.exp(-acc))
                return gcarry

            lax.fori_loop(0, _CHUNK // _LANES, group, 0)

        for b in range(_RING):
            issue(b, b)

        def quad(j, carry):
            for b in range(_RING):
                l = _RING * j + b
                drain(l, b)

                @pl.when(j >= 1)
                def _():
                    drain_out(b)

                compute(l, rs_bufs[b], rd_bufs[b], b)
                issue_out(l, b)

                @pl.when(l + _RING < n_chunks)
                def _():
                    issue(l + _RING, b)

            return carry

        lax.fori_loop(0, n_chunks // _RING, quad, 0)
        last = n_chunks - 1
        lb = last % _RING
        drain(last, lb)
        drain_out(lb)
        compute(last, rs_bufs[lb], rd_bufs[lb], lb)
        issue_out(last, lb)
        for b in range(_RING):
            drain_out(b)

    return body(z, src3d, dst3d)


def kernel(z, edge_index):
    n_edges = edge_index.shape[1]
    n_chunks = n_edges // (_NW * _CHUNK)
    ei = edge_index.astype(jnp.int32)
    src3d = ei[0].reshape(_NW, n_chunks, _CHUNK)
    dst3d = ei[1].reshape(_NW, n_chunks, _CHUNK)
    n_nodes, d_model = z.shape
    z_pk = jax.lax.bitcast_convert_type(
        z.astype(jnp.bfloat16).reshape(n_nodes, d_model // 2, 2), jnp.int32)
    out3d = _decode(z_pk, src3d, dst3d, n_edges=n_edges, n_chunks=n_chunks)
    return out3d.reshape(n_edges)

# --- scband reference (transcript-rebuilt; emitter-appended) ---
"""Pipeline reference for scband-inner-product-decoder-26276609917209 (READ-ONLY COPY).

The authoritative reference and input builder live on the scoring server;
editing this copy changes nothing except your own understanding.
"""

import jax, jax.numpy as jnp
import numpy as np


def setup_inputs(seed: int = 0) -> dict:
    key = jax.random.key(seed)
    k1, k2 = jax.random.split(key)
    z = jax.random.normal(k1, (10000, 128), dtype=jnp.float32)
    edge_index = jax.random.randint(k2, (2, 320000), 0, 10000, dtype=jnp.int64 if jax.config.jax_enable_x64 else jnp.int32)
    return {"z": z, "edge_index": edge_index}


def reference(z, edge_index):
    src = edge_index[0]
    dst = edge_index[1]
    z_src = jnp.take(z, src, axis=0)
    z_dst = jnp.take(z, dst, axis=0)
    value = jnp.sum(z_src * z_dst, axis=1)
    value = jax.nn.sigmoid(value)
    return value

if __name__ == "__main__":
    import jax
    _d = setup_inputs()
    print(jax.jit(kernel)(*tuple(_d.values())))

</pallas_src>

<mosaic_0001>
#map = affine_map<(d0, d1) -> (0, 0)>
#map1 = affine_map<(d0, d1) -> (0, 0, 0)>
module attributes {stable_mosaic.version = 14 : i64} {
  func.func @body(%arg0: i32, %arg1: i32, %arg2: memref<10000x64xi32, #tpu.memory_space<hbm>>, %arg3: memref<32x125x80xi32, #tpu.memory_space<hbm>>, %arg4: memref<32x125x80xi32, #tpu.memory_space<hbm>>, %arg5: memref<32x125x80xf32, #tpu.memory_space<hbm>>, %arg6: memref<125x80xi32, #tpu.memory_space<vmem>>, %arg7: memref<!tpu.dma_semaphore, #tpu.memory_space<semaphore_mem>>, %arg8: memref<!tpu.dma_semaphore, #tpu.memory_space<semaphore_mem>>, %arg9: memref<80xf32, #tpu.memory_space<vmem>>, %arg10: memref<80xf32, #tpu.memory_space<vmem>>, %arg11: memref<80x64xi32, #tpu.memory_space<vmem>>, %arg12: memref<80x64xi32, #tpu.memory_space<vmem>>, %arg13: memref<80x64xi32, #tpu.memory_space<vmem>>, %arg14: memref<80x64xi32, #tpu.memory_space<vmem>>, %arg15: memref<!tpu.dma_semaphore, #tpu.memory_space<semaphore_mem>>, %arg16: memref<!tpu.dma_semaphore, #tpu.memory_space<semaphore_mem>>, %arg17: memref<125x80xi32, #tpu.memory_space<vmem>>, %arg18: memref<10000x64xi32, #tpu.memory_space<vmem_shared>>) attributes {dimension_semantics = [#tpu.dimension_semantics<core_parallel>, #tpu.dimension_semantics<subcore_parallel>], iteration_bounds = array<i64: 2, 16>, scalar_prefetch = 0 : i64, scratch_operands = 13 : i64, tpu.core_type = #tpu.core_type<sc_vector_subcore>, window_params = [{transform_indices = #map}, {transform_indices = #map1}, {transform_indices = #map1}, {transform_indices = #map1}]} {
    %mul3A = arith.constant 2 : i32
    %mul3A_0 = arith.muli %arg1, %mul3A : i32
    %add3A = arith.addi %mul3A_0, %arg0 : i32
    %mul3A_1 = arith.constant 625 : i32
    %mul3A_2 = arith.muli %arg1, %mul3A_1 : i32
    %mul3A_3 = arith.constant 625 : i32
    %mul3A_4 = arith.muli %arg1, %mul3A_3 : i32
    "tpu.region"() ({
      %run_scoped3A = tpu.sem_alloc : memref<!tpu.dma_semaphore, #tpu.memory_space<semaphore_mem>>
      %dma_start3A_85 = arith.constant 0 : i32
      %dma_start3A_86 = tpu.memref_slice %arg18[%mul3A_4, %dma_start3A_85] : memref<10000x64xi32, #tpu.memory_space<vmem_shared>> -> memref<625x64xi32, #tpu.memory_space<vmem_shared>>
      %dma_start3A_87 = arith.constant 0 : i32
      %dma_start3A_88 = tpu.memref_slice %arg2[%mul3A_2, %dma_start3A_87] : memref<10000x64xi32, #tpu.memory_space<hbm>> -> memref<625x64xi32, #tpu.memory_space<hbm>>
      tpu.enqueue_dma source(%dma_start3A_88 : memref<625x64xi32, #tpu.memory_space<hbm>>) target(%dma_start3A_86 : memref<625x64xi32, #tpu.memory_space<vmem_shared>>) target_semaphore(%run_scoped3A : memref<!tpu.dma_semaphore, #tpu.memory_space<semaphore_mem>>)
      %dma_wait3A_89 = arith.constant 0 : i32
      %dma_wait3A_90 = tpu.memref_slice %arg18[%mul3A_4, %dma_wait3A_89] : memref<10000x64xi32, #tpu.memory_space<vmem_shared>> -> memref<625x64xi32, #tpu.memory_space<vmem_shared>>
      %dma_wait3A_91 = arith.constant 0 : i32
      %dma_wait3A_92 = tpu.memref_slice %arg2[%mul3A_2, %dma_wait3A_91] : memref<10000x64xi32, #tpu.memory_space<hbm>> -> memref<625x64xi32, #tpu.memory_space<hbm>>
      tpu.wait_dma2 semaphore(%run_scoped3A : memref<!tpu.dma_semaphore, #tpu.memory_space<semaphore_mem>>) src(%dma_wait3A_92 : memref<625x64xi32, #tpu.memory_space<hbm>>) dst(%dma_wait3A_90 : memref<625x64xi32, #tpu.memory_space<vmem_shared>>)
      tpu.yield
    }) : () -> ()
    "tpu.region"() ({
      %run_scoped3A = tpu.sem_alloc : memref<!tpu.dma_semaphore, #tpu.memory_space<semaphore_mem>>
      %dma_start3A_85 = arith.constant 0 : i32
      %dma_start3A_86 = arith.constant 0 : i32
      %dma_start3A_87 = tpu.memref_slice %arg3[%add3A, %dma_start3A_85, %dma_start3A_86] : memref<32x125x80xi32, #tpu.memory_space<hbm>> -> memref<1x125x80xi32, #tpu.memory_space<hbm>>
      %dma_start3A_88 = tpu.memref_squeeze %dma_start3A_87 : memref<1x125x80xi32, #tpu.memory_space<hbm>> -> memref<125x80xi32, #tpu.memory_space<hbm>>
      %dma_start3A_89 = arith.constant 0 : i32
      %dma_start3A_90 = arith.constant 0 : i32
      %dma_start3A_91 = tpu.memref_slice %arg3[%add3A, %dma_start3A_89, %dma_start3A_90] : memref<32x125x80xi32, #tpu.memory_space<hbm>> -> memref<1x125x80xi32, #tpu.memory_space<hbm>>
      %dma_start3A_92 = tpu.memref_squeeze %dma_start3A_91 : memref<1x125x80xi32, #tpu.memory_space<hbm>> -> memref<125x80xi32, #tpu.memory_space<hbm>>
      tpu.enqueue_dma source(%dma_start3A_92 : memref<125x80xi32, #tpu.memory_space<hbm>>) target(%arg17 : memref<125x80xi32, #tpu.memory_space<vmem>>) target_semaphore(%run_scoped3A : memref<!tpu.dma_semaphore, #tpu.memory_space<semaphore_mem>>)
      %dma_wait3A_93 = arith.constant 0 : i32
      %dma_wait3A_94 = arith.constant 0 : i32
      %dma_wait3A_95 = tpu.memref_slice %arg3[%add3A, %dma_wait3A_93, %dma_wait3A_94] : memref<32x125x80xi32, #tpu.memory_space<hbm>> -> memref<1x125x80xi32, #tpu.memory_space<hbm>>
      %dma_wait3A_96 = tpu.memref_squeeze %dma_wait3A_95 : memref<1x125x80xi32, #tpu.memory_space<hbm>> -> memref<125x80xi32, #tpu.memory_space<hbm>>
      %dma_wait3A_97 = arith.constant 0 : i32
      %dma_wait3A_98 = arith.constant 0 : i32
      %dma_wait3A_99 = tpu.memref_slice %arg3[%add3A, %dma_wait3A_97, %dma_wait3A_98] : memref<32x125x80xi32, #tpu.memory_space<hbm>> -> memref<1x125x80xi32, #tpu.memory_space<hbm>>
      %dma_wait3A_100 = tpu.memref_squeeze %dma_wait3A_99 : memref<1x125x80xi32, #tpu.memory_space<hbm>> -> memref<125x80xi32, #tpu.memory_space<hbm>>
      tpu.wait_dma2 semaphore(%run_scoped3A : memref<!tpu.dma_semaphore, #tpu.memory_space<semaphore_mem>>) src(%dma_wait3A_100 : memref<125x80xi32, #tpu.memory_space<hbm>>) dst(%arg17 : memref<125x80xi32, #tpu.memory_space<vmem>>)
      tpu.yield
    }) : () -> ()
    "tpu.region"() ({
      %run_scoped3A = tpu.sem_alloc : memref<!tpu.dma_semaphore, #tpu.memory_space<semaphore_mem>>
      %dma_start3A_85 = arith.constant 0 : i32
      %dma_start3A_86 = arith.constant 0 : i32
      %dma_start3A_87 = tpu.memref_slice %arg4[%add3A, %dma_start3A_85, %dma_start3A_86] : memref<32x125x80xi32, #tpu.memory_space<hbm>> -> memref<1x125x80xi32, #tpu.memory_space<hbm>>
      %dma_start3A_88 = tpu.memref_squeeze %dma_start3A_87 : memref<1x125x80xi32, #tpu.memory_space<hbm>> -> memref<125x80xi32, #tpu.memory_space<hbm>>
      %dma_start3A_89 = arith.constant 0 : i32
      %dma_start3A_90 = arith.constant 0 : i32
      %dma_start3A_91 = tpu.memref_slice %arg4[%add3A, %dma_start3A_89, %dma_start3A_90] : memref<32x125x80xi32, #tpu.memory_space<hbm>> -> memref<1x125x80xi32, #tpu.memory_space<hbm>>
      %dma_start3A_92 = tpu.memref_squeeze %dma_start3A_91 : memref<1x125x80xi32, #tpu.memory_space<hbm>> -> memref<125x80xi32, #tpu.memory_space<hbm>>
      tpu.enqueue_dma source(%dma_start3A_92 : memref<125x80xi32, #tpu.memory_space<hbm>>) target(%arg6 : memref<125x80xi32, #tpu.memory_space<vmem>>) target_semaphore(%run_scoped3A : memref<!tpu.dma_semaphore, #tpu.memory_space<semaphore_mem>>)
      %dma_wait3A_93 = arith.constant 0 : i32
      %dma_wait3A_94 = arith.constant 0 : i32
      %dma_wait3A_95 = tpu.memref_slice %arg4[%add3A, %dma_wait3A_93, %dma_wait3A_94] : memref<32x125x80xi32, #tpu.memory_space<hbm>> -> memref<1x125x80xi32, #tpu.memory_space<hbm>>
      %dma_wait3A_96 = tpu.memref_squeeze %dma_wait3A_95 : memref<1x125x80xi32, #tpu.memory_space<hbm>> -> memref<125x80xi32, #tpu.memory_space<hbm>>
      %dma_wait3A_97 = arith.constant 0 : i32
      %dma_wait3A_98 = arith.constant 0 : i32
      %dma_wait3A_99 = tpu.memref_slice %arg4[%add3A, %dma_wait3A_97, %dma_wait3A_98] : memref<32x125x80xi32, #tpu.memory_space<hbm>> -> memref<1x125x80xi32, #tpu.memory_space<hbm>>
      %dma_wait3A_100 = tpu.memref_squeeze %dma_wait3A_99 : memref<1x125x80xi32, #tpu.memory_space<hbm>> -> memref<125x80xi32, #tpu.memory_space<hbm>>
      tpu.wait_dma2 semaphore(%run_scoped3A : memref<!tpu.dma_semaphore, #tpu.memory_space<semaphore_mem>>) src(%dma_wait3A_100 : memref<125x80xi32, #tpu.memory_space<hbm>>) dst(%arg6 : memref<125x80xi32, #tpu.memory_space<vmem>>)
      tpu.yield
    }) : () -> ()
    %barrier3A = arith.constant 0 : index
    tpu.barrier barrier_id(%barrier3A)
    %dma_start3A = arith.constant 0 : i32
    %dma_start3A_5 = arith.constant 0 : i32
    %dma_start3A_6 = tpu.memref_slice %arg17[%dma_start3A, %dma_start3A_5] : memref<125x80xi32, #tpu.memory_space<vmem>> -> memref<1x80xi32, #tpu.memory_space<vmem>>
    %dma_start3A_7 = tpu.memref_squeeze %dma_start3A_6 : memref<1x80xi32, #tpu.memory_space<vmem>> -> memref<80xi32, #tpu.memory_space<vmem>>
    %dma_start3A_8 = arith.constant 0 : i32
    %dma_start3A_9 = arith.constant 0 : i32
    %dma_start3A_10 = tpu.memref_slice %arg18[%dma_start3A_8, %dma_start3A_9] : memref<10000x64xi32, #tpu.memory_space<vmem_shared>> -> memref<10000x64xi32, #tpu.memory_space<vmem_shared>>
    tpu.enqueue_indirect_dma source(%dma_start3A_10 : memref<10000x64xi32, #tpu.memory_space<vmem_shared>>) target(%arg13 : memref<80x64xi32, #tpu.memory_space<vmem>>) offsets(%dma_start3A_7 : memref<80xi32, #tpu.memory_space<vmem>>) semaphore(%arg15 : memref<!tpu.dma_semaphore, #tpu.memory_space<semaphore_mem>>)
    %dma_start3A_11 = arith.constant 0 : i32
    %dma_start3A_12 = arith.constant 0 : i32
    %dma_start3A_13 = tpu.memref_slice %arg6[%dma_start3A_11, %dma_start3A_12] : memref<125x80xi32, #tpu.memory_space<vmem>> -> memref<1x80xi32, #tpu.memory_space<vmem>>
    %dma_start3A_14 = tpu.memref_squeeze %dma_start3A_13 : memref<1x80xi32, #tpu.memory_space<vmem>> -> memref<80xi32, #tpu.memory_space<vmem>>
    %dma_start3A_15 = arith.constant 0 : i32
    %dma_start3A_16 = arith.constant 0 : i32
    %dma_start3A_17 = tpu.memref_slice %arg18[%dma_start3A_15, %dma_start3A_16] : memref<10000x64xi32, #tpu.memory_space<vmem_shared>> -> memref<10000x64xi32, #tpu.memory_space<vmem_shared>>
    tpu.enqueue_indirect_dma source(%dma_start3A_17 : memref<10000x64xi32, #tpu.memory_space<vmem_shared>>) target(%arg11 : memref<80x64xi32, #tpu.memory_space<vmem>>) offsets(%dma_start3A_14 : memref<80xi32, #tpu.memory_space<vmem>>) semaphore(%arg15 : memref<!tpu.dma_semaphore, #tpu.memory_space<semaphore_mem>>)
    %dma_start3A_18 = arith.constant 1 : i32
    %dma_start3A_19 = arith.constant 0 : i32
    %dma_start3A_20 = tpu.memref_slice %arg17[%dma_start3A_18, %dma_start3A_19] : memref<125x80xi32, #tpu.memory_space<vmem>> -> memref<1x80xi32, #tpu.memory_space<vmem>>
    %dma_start3A_21 = tpu.memref_squeeze %dma_start3A_20 : memref<1x80xi32, #tpu.memory_space<vmem>> -> memref<80xi32, #tpu.memory_space<vmem>>
    %dma_start3A_22 = arith.constant 0 : i32
    %dma_start3A_23 = arith.constant 0 : i32
    %dma_start3A_24 = tpu.memref_slice %arg18[%dma_start3A_22, %dma_start3A_23] : memref<10000x64xi32, #tpu.memory_space<vmem_shared>> -> memref<10000x64xi32, #tpu.memory_space<vmem_shared>>
    tpu.enqueue_indirect_dma source(%dma_start3A_24 : memref<10000x64xi32, #tpu.memory_space<vmem_shared>>) target(%arg14 : memref<80x64xi32, #tpu.memory_space<vmem>>) offsets(%dma_start3A_21 : memref<80xi32, #tpu.memory_space<vmem>>) semaphore(%arg16 : memref<!tpu.dma_semaphore, #tpu.memory_space<semaphore_mem>>)
    %dma_start3A_25 = arith.constant 1 : i32
    %dma_start3A_26 = arith.constant 0 : i32
    %dma_start3A_27 = tpu.memref_slice %arg6[%dma_start3A_25, %dma_start3A_26] : memref<125x80xi32, #tpu.memory_space<vmem>> -> memref<1x80xi32, #tpu.memory_space<vmem>>
    %dma_start3A_28 = tpu.memref_squeeze %dma_start3A_27 : memref<1x80xi32, #tpu.memory_space<vmem>> -> memref<80xi32, #tpu.memory_space<vmem>>
    %dma_start3A_29 = arith.constant 0 : i32
    %dma_start3A_30 = arith.constant 0 : i32
    %dma_start3A_31 = tpu.memref_slice %arg18[%dma_start3A_29, %dma_start3A_30] : memref<10000x64xi32, #tpu.memory_space<vmem_shared>> -> memref<10000x64xi32, #tpu.memory_space<vmem_shared>>
    tpu.enqueue_indirect_dma source(%dma_start3A_31 : memref<10000x64xi32, #tpu.memory_space<vmem_shared>>) target(%arg12 : memref<80x64xi32, #tpu.memory_space<vmem>>) offsets(%dma_start3A_28 : memref<80xi32, #tpu.memory_space<vmem>>) semaphore(%arg16 : memref<!tpu.dma_semaphore, #tpu.memory_space<semaphore_mem>>)
    %scan3A = arith.constant 0 : i32
    %scan3A_32 = arith.constant 0 : i32
    %scan3A_33 = arith.constant 62 : i32
    %scan3A_34 = arith.addi %scan3A_32, %scan3A_33 : i32
    %scan3A_35 = arith.constant 1 : i32
    scf.for %scan3A_85 = %scan3A_32 to %scan3A_34 step %scan3A_35  : i32 {
      %mul3A_86 = arith.constant 2 : i32
      %mul3A_87 = arith.muli %mul3A_86, %scan3A_85 : i32
      %add3A_88 = arith.constant 0 : i32
      %add3A_89 = arith.addi %mul3A_87, %add3A_88 : i32
      %dma_wait3A_90 = arith.constant 0 : i32
      %dma_wait3A_91 = tpu.memref_slice %arg17[%add3A_89, %dma_wait3A_90] : memref<125x80xi32, #tpu.memory_space<vmem>> -> memref<1x80xi32, #tpu.memory_space<vmem>>
      %dma_wait3A_92 = tpu.memref_squeeze %dma_wait3A_91 : memref<1x80xi32, #tpu.memory_space<vmem>> -> memref<80xi32, #tpu.memory_space<vmem>>
      %dma_wait3A_93 = arith.constant 0 : i32
      %dma_wait3A_94 = arith.constant 0 : i32
      %dma_wait3A_95 = tpu.memref_slice %arg18[%dma_wait3A_93, %dma_wait3A_94] : memref<10000x64xi32, #tpu.memory_space<vmem_shared>> -> memref<10000x64xi32, #tpu.memory_space<vmem_shared>>
      tpu.wait_indirect_dma semaphore(%arg15 : memref<!tpu.dma_semaphore, #tpu.memory_space<semaphore_mem>>) src(%dma_wait3A_95 : memref<10000x64xi32, #tpu.memory_space<vmem_shared>>) dst(%arg13 : memref<80x64xi32, #tpu.memory_space<vmem>>)
      %dma_wait3A_96 = arith.constant 0 : i32
      %dma_wait3A_97 = tpu.memref_slice %arg6[%add3A_89, %dma_wait3A_96] : memref<125x80xi32, #tpu.memory_space<vmem>> -> memref<1x80xi32, #tpu.memory_space<vmem>>
      %dma_wait3A_98 = tpu.memref_squeeze %dma_wait3A_97 : memref<1x80xi32, #tpu.memory_space<vmem>> -> memref<80xi32, #tpu.memory_space<vmem>>
      %dma_wait3A_99 = arith.constant 0 : i32
      %dma_wait3A_100 = arith.constant 0 : i32
      %dma_wait3A_101 = tpu.memref_slice %arg18[%dma_wait3A_99, %dma_wait3A_100] : memref<10000x64xi32, #tpu.memory_space<vmem_shared>> -> memref<10000x64xi32, #tpu.memory_space<vmem_shared>>
      tpu.wait_indirect_dma semaphore(%arg15 : memref<!tpu.dma_semaphore, #tpu.memory_space<semaphore_mem>>) src(%dma_wait3A_101 : memref<10000x64xi32, #tpu.memory_space<vmem_shared>>) dst(%arg11 : memref<80x64xi32, #tpu.memory_space<vmem>>)
      %ge3A = arith.constant 1 : i32
      %ge3A_102 = arith.cmpi sge, %scan3A_85, %ge3A : i32
      %convert_element_type3A = arith.extui %ge3A_102 : i1 to i32
      %cond3A = arith.constant 0 : i32
      %cond3A_103 = arith.cmpi ne, %convert_element_type3A, %cond3A : i32
      scf.if %cond3A_103 {
        %dma_wait3A_168 = arith.constant 0 : i32
        %dma_wait3A_169 = arith.constant 0 : i32
        %dma_wait3A_170 = tpu.memref_slice %arg5[%add3A, %dma_wait3A_168, %dma_wait3A_169] : memref<32x125x80xf32, #tpu.memory_space<hbm>> -> memref<1x1x80xf32, #tpu.memory_space<hbm>>
        %dma_wait3A_171 = tpu.memref_squeeze %dma_wait3A_170 : memref<1x1x80xf32, #tpu.memory_space<hbm>> -> memref<80xf32, #tpu.memory_space<hbm>>
        %dma_wait3A_172 = arith.constant 0 : i32
        %dma_wait3A_173 = tpu.memref_slice %arg5[%add3A, %dma_wait3A_168, %dma_wait3A_172] : memref<32x125x80xf32, #tpu.memory_space<hbm>> -> memref<1x1x80xf32, #tpu.memory_space<hbm>>
        %dma_wait3A_174 = tpu.memref_squeeze %dma_wait3A_173 : memref<1x1x80xf32, #tpu.memory_space<hbm>> -> memref<80xf32, #tpu.memory_space<hbm>>
        tpu.wait_dma2 semaphore(%arg7 : memref<!tpu.dma_semaphore, #tpu.memory_space<semaphore_mem>>) src(%arg9 : memref<80xf32, #tpu.memory_space<vmem>>) dst(%dma_wait3A_174 : memref<80xf32, #tpu.memory_space<hbm>>)
      } else {
      }
      %broadcast_in_dim3A_104 = arith.constant 0.000000e+00 : f32
      %broadcast_in_dim3A_105 = vector.broadcast %broadcast_in_dim3A_104 : f32 to vector<16xf32>
      %iota3A_106 = tpu.iota {dimensions = array<i32: 0>} : vector<16xi32>
      %scan3A_107 = arith.constant 0 : i32
      %scan3A_108 = arith.constant 0 : i32
      %scan3A_109 = arith.constant 5 : i32
      %scan3A_110 = arith.addi %scan3A_108, %scan3A_109 : i32
      %scan3A_111 = arith.constant 1 : i32
      scf.for %scan3A_168 = %scan3A_108 to %scan3A_110 step %scan3A_111  : i32 {
        %mul3A_169 = arith.constant 16 : i32
        %mul3A_170 = arith.muli %scan3A_168, %mul3A_169 : i32
        %broadcast_in_dim3A_171 = vector.broadcast %mul3A_170 : i32 to vector<16xi32>
        %add3A_172 = arith.addi %broadcast_in_dim3A_171, %iota3A_106 : vector<16xi32>
        %scan3A_173 = arith.constant 0 : i32
        %scan3A_174 = arith.constant 4 : i32
        %scan3A_175 = arith.addi %scan3A_173, %scan3A_174 : i32
        %scan3A_176 = arith.constant 1 : i32
        %scan3A_177:4 = scf.for %scan3A_192 = %scan3A_173 to %scan3A_175 step %scan3A_176 iter_args(%scan3A_193 = %broadcast_in_dim3A_105, %scan3A_194 = %broadcast_in_dim3A_105, %scan3A_195 = %broadcast_in_dim3A_105, %scan3A_196 = %broadcast_in_dim3A_105) -> (vector<16xf32>, vector<16xf32>, vector<16xf32>, vector<16xf32>)  : i32 {
          %mul3A_197 = arith.constant 16 : i32
          %mul3A_198 = arith.muli %scan3A_192, %mul3A_197 : i32
          %broadcast_in_dim3A_199 = vector.broadcast %mul3A_198 : i32 to vector<16xi32>
          %add3A_200 = arith.addi %broadcast_in_dim3A_199, %iota3A_106 : vector<16xi32>
          %add3A_201 = arith.constant 0 : i32
          %add3A_202 = vector.broadcast %add3A_201 : i32 to vector<16xi32>
          %add3A_203 = arith.addi %add3A_200, %add3A_202 : vector<16xi32>
          %and3A = arith.constant 63 : i32
          %and3A_204 = vector.broadcast %and3A : i32 to vector<16xi32>
          %and3A_205 = arith.andi %add3A_203, %and3A_204 : vector<16xi32>
          %gather3A = tpu.vector_load_idx %arg13[%add3A_172, %and3A_205] : memref<80x64xi32, #tpu.memory_space<vmem>>[vector<16xi32>, vector<16xi32>], vector<16xi32>,
          %gather3A_206 = tpu.vector_load_idx %arg11[%add3A_172, %and3A_205] : memref<80x64xi32, #tpu.memory_space<vmem>>[vector<16xi32>, vector<16xi32>], vector<16xi32>,
          %bitcast3A = vector.bitcast %gather3A : vector<16xi32> to vector<32xbf16>
          %bitcast3A_207 = vector.bitcast %gather3A_206 : vector<16xi32> to vector<32xbf16>
          %mul3A_208 = arith.mulf %bitcast3A, %bitcast3A_207 : vector<32xbf16>
          %unpack3A = tpu.unpack_subelements %mul3A_208, 0 {pack_format = #tpu.pack_format<interleaved>} : vector<32xbf16> -> vector<16xf32>
          %unpack3A_209 = tpu.unpack_subelements %mul3A_208, 1 {pack_format = #tpu.pack_format<interleaved>} : vector<32xbf16> -> vector<16xf32>
          %add3A_210 = arith.addf %unpack3A, %unpack3A_209 : vector<16xf32>
          %add3A_211 = arith.constant 1 : i32
          %add3A_212 = vector.broadcast %add3A_211 : i32 to vector<16xi32>
          %add3A_213 = arith.addi %add3A_200, %add3A_212 : vector<16xi32>
          %and3A_214 = arith.constant 63 : i32
          %and3A_215 = vector.broadcast %and3A_214 : i32 to vector<16xi32>
          %and3A_216 = arith.andi %add3A_213, %and3A_215 : vector<16xi32>
          %gather3A_217 = tpu.vector_load_idx %arg13[%add3A_172, %and3A_216] : memref<80x64xi32, #tpu.memory_space<vmem>>[vector<16xi32>, vector<16xi32>], vector<16xi32>,
          %gather3A_218 = tpu.vector_load_idx %arg11[%add3A_172, %and3A_216] : memref<80x64xi32, #tpu.memory_space<vmem>>[vector<16xi32>, vector<16xi32>], vector<16xi32>,
          %bitcast3A_219 = vector.bitcast %gather3A_217 : vector<16xi32> to vector<32xbf16>
          %bitcast3A_220 = vector.bitcast %gather3A_218 : vector<16xi32> to vector<32xbf16>
          %mul3A_221 = arith.mulf %bitcast3A_219, %bitcast3A_220 : vector<32xbf16>
          %unpack3A_222 = tpu.unpack_subelements %mul3A_221, 0 {pack_format = #tpu.pack_format<interleaved>} : vector<32xbf16> -> vector<16xf32>
          %unpack3A_223 = tpu.unpack_subelements %mul3A_221, 1 {pack_format = #tpu.pack_format<interleaved>} : vector<32xbf16> -> vector<16xf32>
          %add3A_224 = arith.addf %unpack3A_222, %unpack3A_223 : vector<16xf32>
          %add3A_225 = arith.constant 2 : i32
          %add3A_226 = vector.broadcast %add3A_225 : i32 to vector<16xi32>
          %add3A_227 = arith.addi %add3A_200, %add3A_226 : vector<16xi32>
          %and3A_228 = arith.constant 63 : i32
          %and3A_229 = vector.broadcast %and3A_228 : i32 to vector<16xi32>
          %and3A_230 = arith.andi %add3A_227, %and3A_229 : vector<16xi32>
          %gather3A_231 = tpu.vector_load_idx %arg13[%add3A_172, %and3A_230] : memref<80x64xi32, #tpu.memory_space<vmem>>[vector<16xi32>, vector<16xi32>], vector<16xi32>,
          %gather3A_232 = tpu.vector_load_idx %arg11[%add3A_172, %and3A_230] : memref<80x64xi32, #tpu.memory_space<vmem>>[vector<16xi32>, vector<16xi32>], vector<16xi32>,
          %bitcast3A_233 = vector.bitcast %gather3A_231 : vector<16xi32> to vector<32xbf16>
          %bitcast3A_234 = vector.bitcast %gather3A_232 : vector<16xi32> to vector<32xbf16>
          %mul3A_235 = arith.mulf %bitcast3A_233, %bitcast3A_234 : vector<32xbf16>
          %unpack3A_236 = tpu.unpack_subelements %mul3A_235, 0 {pack_format = #tpu.pack_format<interleaved>} : vector<32xbf16> -> vector<16xf32>
          %unpack3A_237 = tpu.unpack_subelements %mul3A_235, 1 {pack_format = #tpu.pack_format<interleaved>} : vector<32xbf16> -> vector<16xf32>
          %add3A_238 = arith.addf %unpack3A_236, %unpack3A_237 : vector<16xf32>
          %add3A_239 = arith.constant 3 : i32
          %add3A_240 = vector.broadcast %add3A_239 : i32 to vector<16xi32>
          %add3A_241 = arith.addi %add3A_200, %add3A_240 : vector<16xi32>
          %and3A_242 = arith.constant 63 : i32
          %and3A_243 = vector.broadcast %and3A_242 : i32 to vector<16xi32>
          %and3A_244 = arith.andi %add3A_241, %and3A_243 : vector<16xi32>
          %gather3A_245 = tpu.vector_load_idx %arg13[%add3A_172, %and3A_244] : memref<80x64xi32, #tpu.memory_space<vmem>>[vector<16xi32>, vector<16xi32>], vector<16xi32>,
          %gather3A_246 = tpu.vector_load_idx %arg11[%add3A_172, %and3A_244] : memref<80x64xi32, #tpu.memory_space<vmem>>[vector<16xi32>, vector<16xi32>], vector<16xi32>,
          %bitcast3A_247 = vector.bitcast %gather3A_245 : vector<16xi32> to vector<32xbf16>
          %bitcast3A_248 = vector.bitcast %gather3A_246 : vector<16xi32> to vector<32xbf16>
          %mul3A_249 = arith.mulf %bitcast3A_247, %bitcast3A_248 : vector<32xbf16>
          %unpack3A_250 = tpu.unpack_subelements %mul3A_249, 0 {pack_format = #tpu.pack_format<interleaved>} : vector<32xbf16> -> vector<16xf32>
          %unpack3A_251 = tpu.unpack_subelements %mul3A_249, 1 {pack_format = #tpu.pack_format<interleaved>} : vector<32xbf16> -> vector<16xf32>
          %add3A_252 = arith.addf %unpack3A_250, %unpack3A_251 : vector<16xf32>
          %add3A_253 = arith.constant 4 : i32
          %add3A_254 = vector.broadcast %add3A_253 : i32 to vector<16xi32>
          %add3A_255 = arith.addi %add3A_200, %add3A_254 : vector<16xi32>
          %and3A_256 = arith.constant 63 : i32
          %and3A_257 = vector.broadcast %and3A_256 : i32 to vector<16xi32>
          %and3A_258 = arith.andi %add3A_255, %and3A_257 : vector<16xi32>
          %gather3A_259 = tpu.vector_load_idx %arg13[%add3A_172, %and3A_258] : memref<80x64xi32, #tpu.memory_space<vmem>>[vector<16xi32>, vector<16xi32>], vector<16xi32>,
          %gather3A_260 = tpu.vector_load_idx %arg11[%add3A_172, %and3A_258] : memref<80x64xi32, #tpu.memory_space<vmem>>[vector<16xi32>, vector<16xi32>], vector<16xi32>,
          %bitcast3A_261 = vector.bitcast %gather3A_259 : vector<16xi32> to vector<32xbf16>
          %bitcast3A_262 = vector.bitcast %gather3A_260 : vector<16xi32> to vector<32xbf16>
          %mul3A_263 = arith.mulf %bitcast3A_261, %bitcast3A_262 : vector<32xbf16>
          %unpack3A_264 = tpu.unpack_subelements %mul3A_263, 0 {pack_format = #tpu.pack_format<interleaved>} : vector<32xbf16> -> vector<16xf32>
          %unpack3A_265 = tpu.unpack_subelements %mul3A_263, 1 {pack_format = #tpu.pack_format<interleaved>} : vector<32xbf16> -> vector<16xf32>
          %add3A_266 = arith.addf %unpack3A_264, %unpack3A_265 : vector<16xf32>
          %add3A_267 = arith.constant 5 : i32
          %add3A_268 = vector.broadcast %add3A_267 : i32 to vector<16xi32>
          %add3A_269 = arith.addi %add3A_200, %add3A_268 : vector<16xi32>
          %and3A_270 = arith.constant 63 : i32
          %and3A_271 = vector.broadcast %and3A_270 : i32 to vector<16xi32>
          %and3A_272 = arith.andi %add3A_269, %and3A_271 : vector<16xi32>
          %gather3A_273 = tpu.vector_load_idx %arg13[%add3A_172, %and3A_272] : memref<80x64xi32, #tpu.memory_space<vmem>>[vector<16xi32>, vector<16xi32>], vector<16xi32>,
          %gather3A_274 = tpu.vector_load_idx %arg11[%add3A_172, %and3A_272] : memref<80x64xi32, #tpu.memory_space<vmem>>[vector<16xi32>, vector<16xi32>], vector<16xi32>,
          %bitcast3A_275 = vector.bitcast %gather3A_273 : vector<16xi32> to vector<32xbf16>
          %bitcast3A_276 = vector.bitcast %gather3A_274 : vector<16xi32> to vector<32xbf16>
          %mul3A_277 = arith.mulf %bitcast3A_275, %bitcast3A_276 : vector<32xbf16>
          %unpack3A_278 = tpu.unpack_subelements %mul3A_277, 0 {pack_format = #tpu.pack_format<interleaved>} : vector<32xbf16> -> vector<16xf32>
          %unpack3A_279 = tpu.unpack_subelements %mul3A_277, 1 {pack_format = #tpu.pack_format<interleaved>} : vector<32xbf16> -> vector<16xf32>
          %add3A_280 = arith.addf %unpack3A_278, %unpack3A_279 : vector<16xf32>
          %add3A_281 = arith.constant 6 : i32
          %add3A_282 = vector.broadcast %add3A_281 : i32 to vector<16xi32>
          %add3A_283 = arith.addi %add3A_200, %add3A_282 : vector<16xi32>
          %and3A_284 = arith.constant 63 : i32
          %and3A_285 = vector.broadcast %and3A_284 : i32 to vector<16xi32>
          %and3A_286 = arith.andi %add3A_283, %and3A_285 : vector<16xi32>
          %gather3A_287 = tpu.vector_load_idx %arg13[%add3A_172, %and3A_286] : memref<80x64xi32, #tpu.memory_space<vmem>>[vector<16xi32>, vector<16xi32>], vector<16xi32>,
          %gather3A_288 = tpu.vector_load_idx %arg11[%add3A_172, %and3A_286] : memref<80x64xi32, #tpu.memory_space<vmem>>[vector<16xi32>, vector<16xi32>], vector<16xi32>,
          %bitcast3A_289 = vector.bitcast %gather3A_287 : vector<16xi32> to vector<32xbf16>
          %bitcast3A_290 = vector.bitcast %gather3A_288 : vector<16xi32> to vector<32xbf16>
          %mul3A_291 = arith.mulf %bitcast3A_289, %bitcast3A_290 : vector<32xbf16>
          %unpack3A_292 = tpu.unpack_subelements %mul3A_291, 0 {pack_format = #tpu.pack_format<interleaved>} : vector<32xbf16> -> vector<16xf32>
          %unpack3A_293 = tpu.unpack_subelements %mul3A_291, 1 {pack_format = #tpu.pack_format<interleaved>} : vector<32xbf16> -> vector<16xf32>
          %add3A_294 = arith.addf %unpack3A_292, %unpack3A_293 : vector<16xf32>
          %add3A_295 = arith.constant 7 : i32
          %add3A_296 = vector.broadcast %add3A_295 : i32 to vector<16xi32>
          %add3A_297 = arith.addi %add3A_200, %add3A_296 : vector<16xi32>
          %and3A_298 = arith.constant 63 : i32
          %and3A_299 = vector.broadcast %and3A_298 : i32 to vector<16xi32>
          %and3A_300 = arith.andi %add3A_297, %and3A_299 : vector<16xi32>
          %gather3A_301 = tpu.vector_load_idx %arg13[%add3A_172, %and3A_300] : memref<80x64xi32, #tpu.memory_space<vmem>>[vector<16xi32>, vector<16xi32>], vector<16xi32>,
          %gather3A_302 = tpu.vector_load_idx %arg11[%add3A_172, %and3A_300] : memref<80x64xi32, #tpu.memory_space<vmem>>[vector<16xi32>, vector<16xi32>], vector<16xi32>,
          %bitcast3A_303 = vector.bitcast %gather3A_301 : vector<16xi32> to vector<32xbf16>
          %bitcast3A_304 = vector.bitcast %gather3A_302 : vector<16xi32> to vector<32xbf16>
          %mul3A_305 = arith.mulf %bitcast3A_303, %bitcast3A_304 : vector<32xbf16>
          %unpack3A_306 = tpu.unpack_subelements %mul3A_305, 0 {pack_format = #tpu.pack_format<interleaved>} : vector<32xbf16> -> vector<16xf32>
          %unpack3A_307 = tpu.unpack_subelements %mul3A_305, 1 {pack_format = #tpu.pack_format<interleaved>} : vector<32xbf16> -> vector<16xf32>
          %add3A_308 = arith.addf %unpack3A_306, %unpack3A_307 : vector<16xf32>
          %add3A_309 = arith.constant 8 : i32
          %add3A_310 = vector.broadcast %add3A_309 : i32 to vector<16xi32>
          %add3A_311 = arith.addi %add3A_200, %add3A_310 : vector<16xi32>
          %and3A_312 = arith.constant 63 : i32
          %and3A_313 = vector.broadcast %and3A_312 : i32 to vector<16xi32>
          %and3A_314 = arith.andi %add3A_311, %and3A_313 : vector<16xi32>
          %gather3A_315 = tpu.vector_load_idx %arg13[%add3A_172, %and3A_314] : memref<80x64xi32, #tpu.memory_space<vmem>>[vector<16xi32>, vector<16xi32>], vector<16xi32>,
          %gather3A_316 = tpu.vector_load_idx %arg11[%add3A_172, %and3A_314] : memref<80x64xi32, #tpu.memory_space<vmem>>[vector<16xi32>, vector<16xi32>], vector<16xi32>,
          %bitcast3A_317 = vector.bitcast %gather3A_315 : vector<16xi32> to vector<32xbf16>
          %bitcast3A_318 = vector.bitcast %gather3A_316 : vector<16xi32> to vector<32xbf16>
          %mul3A_319 = arith.mulf %bitcast3A_317, %bitcast3A_318 : vector<32xbf16>
          %unpack3A_320 = tpu.unpack_subelements %mul3A_319, 0 {pack_format = #tpu.pack_format<interleaved>} : vector<32xbf16> -> vector<16xf32>
          %unpack3A_321 = tpu.unpack_subelements %mul3A_319, 1 {pack_format = #tpu.pack_format<interleaved>} : vector<32xbf16> -> vector<16xf32>
          %add3A_322 = arith.addf %unpack3A_320, %unpack3A_321 : vector<16xf32>
          %add3A_323 = arith.constant 9 : i32
          %add3A_324 = vector.broadcast %add3A_323 : i32 to vector<16xi32>
          %add3A_325 = arith.addi %add3A_200, %add3A_324 : vector<16xi32>
          %and3A_326 = arith.constant 63 : i32
          %and3A_327 = vector.broadcast %and3A_326 : i32 to vector<16xi32>
          %and3A_328 = arith.andi %add3A_325, %and3A_327 : vector<16xi32>
          %gather3A_329 = tpu.vector_load_idx %arg13[%add3A_172, %and3A_328] : memref<80x64xi32, #tpu.memory_space<vmem>>[vector<16xi32>, vector<16xi32>], vector<16xi32>,
          %gather3A_330 = tpu.vector_load_idx %arg11[%add3A_172, %and3A_328] : memref<80x64xi32, #tpu.memory_space<vmem>>[vector<16xi32>, vector<16xi32>], vector<16xi32>,
          %bitcast3A_331 = vector.bitcast %gather3A_329 : vector<16xi32> to vector<32xbf16>
          %bitcast3A_332 = vector.bitcast %gather3A_330 : vector<16xi32> to vector<32xbf16>
          %mul3A_333 = arith.mulf %bitcast3A_331, %bitcast3A_332 : vector<32xbf16>
          %unpack3A_334 = tpu.unpack_subelements %mul3A_333, 0 {pack_format = #tpu.pack_format<interleaved>} : vector<32xbf16> -> vector<16xf32>
          %unpack3A_335 = tpu.unpack_subelements %mul3A_333, 1 {pack_format = #tpu.pack_format<interleaved>} : vector<32xbf16> -> vector<16xf32>
          %add3A_336 = arith.addf %unpack3A_334, %unpack3A_335 : vector<16xf32>
          %add3A_337 = arith.constant 10 : i32
          %add3A_338 = vector.broadcast %add3A_337 : i32 to vector<16xi32>
          %add3A_339 = arith.addi %add3A_200, %add3A_338 : vector<16xi32>
          %and3A_340 = arith.constant 63 : i32
          %and3A_341 = vector.broadcast %and3A_340 : i32 to vector<16xi32>
          %and3A_342 = arith.andi %add3A_339, %and3A_341 : vector<16xi32>
          %gather3A_343 = tpu.vector_load_idx %arg13[%add3A_172, %and3A_342] : memref<80x64xi32, #tpu.memory_space<vmem>>[vector<16xi32>, vector<16xi32>], vector<16xi32>,
          %gather3A_344 = tpu.vector_load_idx %arg11[%add3A_172, %and3A_342] : memref<80x64xi32, #tpu.memory_space<vmem>>[vector<16xi32>, vector<16xi32>], vector<16xi32>,
          %bitcast3A_345 = vector.bitcast %gather3A_343 : vector<16xi32> to vector<32xbf16>
          %bitcast3A_346 = vector.bitcast %gather3A_344 : vector<16xi32> to vector<32xbf16>
          %mul3A_347 = arith.mulf %bitcast3A_345, %bitcast3A_346 : vector<32xbf16>
          %unpack3A_348 = tpu.unpack_subelements %mul3A_347, 0 {pack_format = #tpu.pack_format<interleaved>} : vector<32xbf16> -> vector<16xf32>
          %unpack3A_349 = tpu.unpack_subelements %mul3A_347, 1 {pack_format = #tpu.pack_format<interleaved>} : vector<32xbf16> -> vector<16xf32>
          %add3A_350 = arith.addf %unpack3A_348, %unpack3A_349 : vector<16xf32>
          %add3A_351 = arith.constant 11 : i32
          %add3A_352 = vector.broadcast %add3A_351 : i32 to vector<16xi32>
          %add3A_353 = arith.addi %add3A_200, %add3A_352 : vector<16xi32>
          %and3A_354 = arith.constant 63 : i32
          %and3A_355 = vector.broadcast %and3A_354 : i32 to vector<16xi32>
          %and3A_356 = arith.andi %add3A_353, %and3A_355 : vector<16xi32>
          %gather3A_357 = tpu.vector_load_idx %arg13[%add3A_172, %and3A_356] : memref<80x64xi32, #tpu.memory_space<vmem>>[vector<16xi32>, vector<16xi32>], vector<16xi32>,
          %gather3A_358 = tpu.vector_load_idx %arg11[%add3A_172, %and3A_356] : memref<80x64xi32, #tpu.memory_space<vmem>>[vector<16xi32>, vector<16xi32>], vector<16xi32>,
          %bitcast3A_359 = vector.bitcast %gather3A_357 : vector<16xi32> to vector<32xbf16>
          %bitcast3A_360 = vector.bitcast %gather3A_358 : vector<16xi32> to vector<32xbf16>
          %mul3A_361 = arith.mulf %bitcast3A_359, %bitcast3A_360 : vector<32xbf16>
          %unpack3A_362 = tpu.unpack_subelements %mul3A_361, 0 {pack_format = #tpu.pack_format<interleaved>} : vector<32xbf16> -> vector<16xf32>
          %unpack3A_363 = tpu.unpack_subelements %mul3A_361, 1 {pack_format = #tpu.pack_format<interleaved>} : vector<32xbf16> -> vector<16xf32>
          %add3A_364 = arith.addf %unpack3A_362, %unpack3A_363 : vector<16xf32>
          %add3A_365 = arith.constant 12 : i32
          %add3A_366 = vector.broadcast %add3A_365 : i32 to vector<16xi32>
          %add3A_367 = arith.addi %add3A_200, %add3A_366 : vector<16xi32>
          %and3A_368 = arith.constant 63 : i32
          %and3A_369 = vector.broadcast %and3A_368 : i32 to vector<16xi32>
          %and3A_370 = arith.andi %add3A_367, %and3A_369 : vector<16xi32>
          %gather3A_371 = tpu.vector_load_idx %arg13[%add3A_172, %and3A_370] : memref<80x64xi32, #tpu.memory_space<vmem>>[vector<16xi32>, vector<16xi32>], vector<16xi32>,
          %gather3A_372 = tpu.vector_load_idx %arg11[%add3A_172, %and3A_370] : memref<80x64xi32, #tpu.memory_space<vmem>>[vector<16xi32>, vector<16xi32>], vector<16xi32>,
          %bitcast3A_373 = vector.bitcast %gather3A_371 : vector<16xi32> to vector<32xbf16>
          %bitcast3A_374 = vector.bitcast %gather3A_372 : vector<16xi32> to vector<32xbf16>
          %mul3A_375 = arith.mulf %bitcast3A_373, %bitcast3A_374 : vector<32xbf16>
          %unpack3A_376 = tpu.unpack_subelements %mul3A_375, 0 {pack_format = #tpu.pack_format<interleaved>} : vector<32xbf16> -> vector<16xf32>
          %unpack3A_377 = tpu.unpack_subelements %mul3A_375, 1 {pack_format = #tpu.pack_format<interleaved>} : vector<32xbf16> -> vector<16xf32>
          %add3A_378 = arith.addf %unpack3A_376, %unpack3A_377 : vector<16xf32>
          %add3A_379 = arith.constant 13 : i32
          %add3A_380 = vector.broadcast %add3A_379 : i32 to vector<16xi32>
          %add3A_381 = arith.addi %add3A_200, %add3A_380 : vector<16xi32>
          %and3A_382 = arith.constant 63 : i32
          %and3A_383 = vector.broadcast %and3A_382 : i32 to vector<16xi32>
          %and3A_384 = arith.andi %add3A_381, %and3A_383 : vector<16xi32>
          %gather3A_385 = tpu.vector_load_idx %arg13[%add3A_172, %and3A_384] : memref<80x64xi32, #tpu.memory_space<vmem>>[vector<16xi32>, vector<16xi32>], vector<16xi32>,
          %gather3A_386 = tpu.vector_load_idx %arg11[%add3A_172, %and3A_384] : memref<80x64xi32, #tpu.memory_space<vmem>>[vector<16xi32>, vector<16xi32>], vector<16xi32>,
          %bitcast3A_387 = vector.bitcast %gather3A_385 : vector<16xi32> to vector<32xbf16>
          %bitcast3A_388 = vector.bitcast %gather3A_386 : vector<16xi32> to vector<32xbf16>
          %mul3A_389 = arith.mulf %bitcast3A_387, %bitcast3A_388 : vector<32xbf16>
          %unpack3A_390 = tpu.unpack_subelements %mul3A_389, 0 {pack_format = #tpu.pack_format<interleaved>} : vector<32xbf16> -> vector<16xf32>
          %unpack3A_391 = tpu.unpack_subelements %mul3A_389, 1 {pack_format = #tpu.pack_format<interleaved>} : vector<32xbf16> -> vector<16xf32>
          %add3A_392 = arith.addf %unpack3A_390, %unpack3A_391 : vector<16xf32>
          %add3A_393 = arith.constant 14 : i32
          %add3A_394 = vector.broadcast %add3A_393 : i32 to vector<16xi32>
          %add3A_395 = arith.addi %add3A_200, %add3A_394 : vector<16xi32>
          %and3A_396 = arith.constant 63 : i32
          %and3A_397 = vector.broadcast %and3A_396 : i32 to vector<16xi32>
          %and3A_398 = arith.andi %add3A_395, %and3A_397 : vector<16xi32>
          %gather3A_399 = tpu.vector_load_idx %arg13[%add3A_172, %and3A_398] : memref<80x64xi32, #tpu.memory_space<vmem>>[vector<16xi32>, vector<16xi32>], vector<16xi32>,
          %gather3A_400 = tpu.vector_load_idx %arg11[%add3A_172, %and3A_398] : memref<80x64xi32, #tpu.memory_space<vmem>>[vector<16xi32>, vector<16xi32>], vector<16xi32>,
          %bitcast3A_401 = vector.bitcast %gather3A_399 : vector<16xi32> to vector<32xbf16>
          %bitcast3A_402 = vector.bitcast %gather3A_400 : vector<16xi32> to vector<32xbf16>
          %mul3A_403 = arith.mulf %bitcast3A_401, %bitcast3A_402 : vector<32xbf16>
          %unpack3A_404 = tpu.unpack_subelements %mul3A_403, 0 {pack_format = #tpu.pack_format<interleaved>} : vector<32xbf16> -> vector<16xf32>
          %unpack3A_405 = tpu.unpack_subelements %mul3A_403, 1 {pack_format = #tpu.pack_format<interleaved>} : vector<32xbf16> -> vector<16xf32>
          %add3A_406 = arith.addf %unpack3A_404, %unpack3A_405 : vector<16xf32>
          %add3A_407 = arith.constant 15 : i32
          %add3A_408 = vector.broadcast %add3A_407 : i32 to vector<16xi32>
          %add3A_409 = arith.addi %add3A_200, %add3A_408 : vector<16xi32>
          %and3A_410 = arith.constant 63 : i32
          %and3A_411 = vector.broadcast %and3A_410 : i32 to vector<16xi32>
          %and3A_412 = arith.andi %add3A_409, %and3A_411 : vector<16xi32>
          %gather3A_413 = tpu.vector_load_idx %arg13[%add3A_172, %and3A_412] : memref<80x64xi32, #tpu.memory_space<vmem>>[vector<16xi32>, vector<16xi32>], vector<16xi32>,
          %gather3A_414 = tpu.vector_load_idx %arg11[%add3A_172, %and3A_412] : memref<80x64xi32, #tpu.memory_space<vmem>>[vector<16xi32>, vector<16xi32>], vector<16xi32>,
          %bitcast3A_415 = vector.bitcast %gather3A_413 : vector<16xi32> to vector<32xbf16>
          %bitcast3A_416 = vector.bitcast %gather3A_414 : vector<16xi32> to vector<32xbf16>
          %mul3A_417 = arith.mulf %bitcast3A_415, %bitcast3A_416 : vector<32xbf16>
          %unpack3A_418 = tpu.unpack_subelements %mul3A_417, 0 {pack_format = #tpu.pack_format<interleaved>} : vector<32xbf16> -> vector<16xf32>
          %unpack3A_419 = tpu.unpack_subelements %mul3A_417, 1 {pack_format = #tpu.pack_format<interleaved>} : vector<32xbf16> -> vector<16xf32>
          %add3A_420 = arith.addf %unpack3A_418, %unpack3A_419 : vector<16xf32>
          %add3A_421 = arith.addf %scan3A_193, %add3A_210 : vector<16xf32>
          %add3A_422 = arith.addf %scan3A_194, %add3A_224 : vector<16xf32>
          %add3A_423 = arith.addf %scan3A_195, %add3A_238 : vector<16xf32>
          %add3A_424 = arith.addf %scan3A_196, %add3A_252 : vector<16xf32>
          %add3A_425 = arith.addf %add3A_421, %add3A_266 : vector<16xf32>
          %add3A_426 = arith.addf %add3A_422, %add3A_280 : vector<16xf32>
          %add3A_427 = arith.addf %add3A_423, %add3A_294 : vector<16xf32>
          %add3A_428 = arith.addf %add3A_424, %add3A_308 : vector<16xf32>
          %add3A_429 = arith.addf %add3A_425, %add3A_322 : vector<16xf32>
          %add3A_430 = arith.addf %add3A_426, %add3A_336 : vector<16xf32>
          %add3A_431 = arith.addf %add3A_427, %add3A_350 : vector<16xf32>
          %add3A_432 = arith.addf %add3A_428, %add3A_364 : vector<16xf32>
          %add3A_433 = arith.addf %add3A_429, %add3A_378 : vector<16xf32>
          %add3A_434 = arith.addf %add3A_430, %add3A_392 : vector<16xf32>
          %add3A_435 = arith.addf %add3A_431, %add3A_406 : vector<16xf32>
          %add3A_436 = arith.addf %add3A_432, %add3A_420 : vector<16xf32>
          scf.yield %add3A_433, %add3A_434, %add3A_435, %add3A_436 : vector<16xf32>, vector<16xf32>, vector<16xf32>, vector<16xf32>
        }
        %scan3A_178 = arith.constant 4 : i32
        %add3A_179 = arith.addf %scan3A_177#0, %scan3A_177#1 : vector<16xf32>
        %add3A_180 = arith.addf %scan3A_177#2, %scan3A_177#3 : vector<16xf32>
        %add3A_181 = arith.addf %add3A_179, %add3A_180 : vector<16xf32>
        %neg3A = arith.constant 0.000000e+00 : f32
        %neg3A_182 = vector.broadcast %neg3A : f32 to vector<16xf32>
        %neg3A_183 = arith.subf %neg3A_182, %add3A_181 : vector<16xf32>
        %exp3A = math.exp %neg3A_183 : vector<16xf32>
        %add3A_184 = arith.constant 1.000000e+00 : f32
        %add3A_185 = vector.broadcast %add3A_184 : f32 to vector<16xf32>
        %add3A_186 = arith.addf %add3A_185, %exp3A : vector<16xf32>
        %div3A = arith.constant 1.000000e+00 : f32
        %div3A_187 = vector.broadcast %div3A : f32 to vector<16xf32>
        %div3A_188 = arith.divf %div3A_187, %add3A_186 : vector<16xf32>
        %mul3A_189 = arith.constant 16 : i32
        %mul3A_190 = arith.muli %scan3A_168, %mul3A_189 : i32
        %swap3A = arith.index_cast %mul3A_190 : i32 to index
        %swap3A_191 = tpu.vector_load %arg9[%swap3A] {strides = array<i32>} : memref<80xf32, #tpu.memory_space<vmem>>, vector<16xf32>,
        tpu.vector_store %arg9[%swap3A], %div3A_188 {strides = array<i32>} : memref<80xf32, #tpu.memory_space<vmem>>, vector<16xf32>,
      }
      %scan3A_112 = arith.constant 5 : i32
      %dma_start3A_113 = arith.constant 0 : i32
      %dma_start3A_114 = tpu.memref_slice %arg5[%add3A, %add3A_89, %dma_start3A_113] : memref<32x125x80xf32, #tpu.memory_space<hbm>> -> memref<1x1x80xf32, #tpu.memory_space<hbm>>
      %dma_start3A_115 = tpu.memref_squeeze %dma_start3A_114 : memref<1x1x80xf32, #tpu.memory_space<hbm>> -> memref<80xf32, #tpu.memory_space<hbm>>
      %dma_start3A_116 = arith.constant 0 : i32
      %dma_start3A_117 = tpu.memref_slice %arg5[%add3A, %add3A_89, %dma_start3A_116] : memref<32x125x80xf32, #tpu.memory_space<hbm>> -> memref<1x1x80xf32, #tpu.memory_space<hbm>>
      %dma_start3A_118 = tpu.memref_squeeze %dma_start3A_117 : memref<1x1x80xf32, #tpu.memory_space<hbm>> -> memref<80xf32, #tpu.memory_space<hbm>>
      tpu.enqueue_dma source(%arg9 : memref<80xf32, #tpu.memory_space<vmem>>) target(%dma_start3A_118 : memref<80xf32, #tpu.memory_space<hbm>>) target_semaphore(%arg7 : memref<!tpu.dma_semaphore, #tpu.memory_space<semaphore_mem>>)
      %add3A_119 = arith.constant 2 : i32
      %add3A_120 = arith.addi %add3A_89, %add3A_119 : i32
      %lt3A = arith.constant 125 : i32
      %lt3A_121 = arith.cmpi slt, %add3A_120, %lt3A : i32
      %convert_element_type3A_122 = arith.extui %lt3A_121 : i1 to i32
      %cond3A_123 = arith.constant 0 : i32
      %cond3A_124 = arith.cmpi ne, %convert_element_type3A_122, %cond3A_123 : i32
      scf.if %cond3A_124 {
        %add3A_168 = arith.constant 2 : i32
        %add3A_169 = arith.addi %add3A_89, %add3A_168 : i32
        %dma_start3A_170 = arith.constant 0 : i32
        %dma_start3A_171 = tpu.memref_slice %arg17[%add3A_169, %dma_start3A_170] : memref<125x80xi32, #tpu.memory_space<vmem>> -> memref<1x80xi32, #tpu.memory_space<vmem>>
        %dma_start3A_172 = tpu.memref_squeeze %dma_start3A_171 : memref<1x80xi32, #tpu.memory_space<vmem>> -> memref<80xi32, #tpu.memory_space<vmem>>
        %dma_start3A_173 = arith.constant 0 : i32
        %dma_start3A_174 = arith.constant 0 : i32
        %dma_start3A_175 = tpu.memref_slice %arg18[%dma_start3A_173, %dma_start3A_174] : memref<10000x64xi32, #tpu.memory_space<vmem_shared>> -> memref<10000x64xi32, #tpu.memory_space<vmem_shared>>
        tpu.enqueue_indirect_dma source(%dma_start3A_175 : memref<10000x64xi32, #tpu.memory_space<vmem_shared>>) target(%arg13 : memref<80x64xi32, #tpu.memory_space<vmem>>) offsets(%dma_start3A_172 : memref<80xi32, #tpu.memory_space<vmem>>) semaphore(%arg15 : memref<!tpu.dma_semaphore, #tpu.memory_space<semaphore_mem>>)
        %dma_start3A_176 = arith.constant 0 : i32
        %dma_start3A_177 = tpu.memref_slice %arg6[%add3A_169, %dma_start3A_176] : memref<125x80xi32, #tpu.memory_space<vmem>> -> memref<1x80xi32, #tpu.memory_space<vmem>>
        %dma_start3A_178 = tpu.memref_squeeze %dma_start3A_177 : memref<1x80xi32, #tpu.memory_space<vmem>> -> memref<80xi32, #tpu.memory_space<vmem>>
        %dma_start3A_179 = arith.constant 0 : i32
        %dma_start3A_180 = arith.constant 0 : i32
        %dma_start3A_181 = tpu.memref_slice %arg18[%dma_start3A_179, %dma_start3A_180] : memref<10000x64xi32, #tpu.memory_space<vmem_shared>> -> memref<10000x64xi32, #tpu.memory_space<vmem_shared>>
        tpu.enqueue_indirect_dma source(%dma_start3A_181 : memref<10000x64xi32, #tpu.memory_space<vmem_shared>>) target(%arg11 : memref<80x64xi32, #tpu.memory_space<vmem>>) offsets(%dma_start3A_178 : memref<80xi32, #tpu.memory_space<vmem>>) semaphore(%arg15 : memref<!tpu.dma_semaphore, #tpu.memory_space<semaphore_mem>>)
      } else {
      }
      %mul3A_125 = arith.constant 2 : i32
      %mul3A_126 = arith.muli %mul3A_125, %scan3A_85 : i32
      %add3A_127 = arith.constant 1 : i32
      %add3A_128 = arith.addi %mul3A_126, %add3A_127 : i32
      %dma_wait3A_129 = arith.constant 0 : i32
      %dma_wait3A_130 = tpu.memref_slice %arg17[%add3A_128, %dma_wait3A_129] : memref<125x80xi32, #tpu.memory_space<vmem>> -> memref<1x80xi32, #tpu.memory_space<vmem>>
      %dma_wait3A_131 = tpu.memref_squeeze %dma_wait3A_130 : memref<1x80xi32, #tpu.memory_space<vmem>> -> memref<80xi32, #tpu.memory_space<vmem>>
      %dma_wait3A_132 = arith.constant 0 : i32
      %dma_wait3A_133 = arith.constant 0 : i32
      %dma_wait3A_134 = tpu.memref_slice %arg18[%dma_wait3A_132, %dma_wait3A_133] : memref<10000x64xi32, #tpu.memory_space<vmem_shared>> -> memref<10000x64xi32, #tpu.memory_space<vmem_shared>>
      tpu.wait_indirect_dma semaphore(%arg16 : memref<!tpu.dma_semaphore, #tpu.memory_space<semaphore_mem>>) src(%dma_wait3A_134 : memref<10000x64xi32, #tpu.memory_space<vmem_shared>>) dst(%arg14 : memref<80x64xi32, #tpu.memory_space<vmem>>)
      %dma_wait3A_135 = arith.constant 0 : i32
      %dma_wait3A_136 = tpu.memref_slice %arg6[%add3A_128, %dma_wait3A_135] : memref<125x80xi32, #tpu.memory_space<vmem>> -> memref<1x80xi32, #tpu.memory_space<vmem>>
      %dma_wait3A_137 = tpu.memref_squeeze %dma_wait3A_136 : memref<1x80xi32, #tpu.memory_space<vmem>> -> memref<80xi32, #tpu.memory_space<vmem>>
      %dma_wait3A_138 = arith.constant 0 : i32
      %dma_wait3A_139 = arith.constant 0 : i32
      %dma_wait3A_140 = tpu.memref_slice %arg18[%dma_wait3A_138, %dma_wait3A_139] : memref<10000x64xi32, #tpu.memory_space<vmem_shared>> -> memref<10000x64xi32, #tpu.memory_space<vmem_shared>>
      tpu.wait_indirect_dma semaphore(%arg16 : memref<!tpu.dma_semaphore, #tpu.memory_space<semaphore_mem>>) src(%dma_wait3A_140 : memref<10000x64xi32, #tpu.memory_space<vmem_shared>>) dst(%arg12 : memref<80x64xi32, #tpu.memory_space<vmem>>)
      %ge3A_141 = arith.constant 1 : i32
      %ge3A_142 = arith.cmpi sge, %scan3A_85, %ge3A_141 : i32
      %convert_element_type3A_143 = arith.extui %ge3A_142 : i1 to i32
      %cond3A_144 = arith.constant 0 : i32
      %cond3A_145 = arith.cmpi ne, %convert_element_type3A_143, %cond3A_144 : i32
      scf.if %cond3A_145 {
        %dma_wait3A_168 = arith.constant 0 : i32
        %dma_wait3A_169 = arith.constant 0 : i32
        %dma_wait3A_170 = tpu.memref_slice %arg5[%add3A, %dma_wait3A_168, %dma_wait3A_169] : memref<32x125x80xf32, #tpu.memory_space<hbm>> -> memref<1x1x80xf32, #tpu.memory_space<hbm>>
        %dma_wait3A_171 = tpu.memref_squeeze %dma_wait3A_170 : memref<1x1x80xf32, #tpu.memory_space<hbm>> -> memref<80xf32, #tpu.memory_space<hbm>>
        %dma_wait3A_172 = arith.constant 0 : i32
        %dma_wait3A_173 = tpu.memref_slice %arg5[%add3A, %dma_wait3A_168, %dma_wait3A_172] : memref<32x125x80xf32, #tpu.memory_space<hbm>> -> memref<1x1x80xf32, #tpu.memory_space<hbm>>
        %dma_wait3A_174 = tpu.memref_squeeze %dma_wait3A_173 : memref<1x1x80xf32, #tpu.memory_space<hbm>> -> memref<80xf32, #tpu.memory_space<hbm>>
        tpu.wait_dma2 semaphore(%arg8 : memref<!tpu.dma_semaphore, #tpu.memory_space<semaphore_mem>>) src(%arg10 : memref<80xf32, #tpu.memory_space<vmem>>) dst(%dma_wait3A_174 : memref<80xf32, #tpu.memory_space<hbm>>)
      } else {
      }
      %broadcast_in_dim3A_146 = arith.constant 0.000000e+00 : f32
      %broadcast_in_dim3A_147 = vector.broadcast %broadcast_in_dim3A_146 : f32 to vector<16xf32>
      %iota3A_148 = tpu.iota {dimensions = array<i32: 0>} : vector<16xi32>
      %scan3A_149 = arith.constant 0 : i32
      %scan3A_150 = arith.constant 0 : i32
      %scan3A_151 = arith.constant 5 : i32
      %scan3A_152 = arith.addi %scan3A_150, %scan3A_151 : i32
      %scan3A_153 = arith.constant 1 : i32
      scf.for %scan3A_168 = %scan3A_150 to %scan3A_152 step %scan3A_153  : i32 {
        %mul3A_169 = arith.constant 16 : i32
        %mul3A_170 = arith.muli %scan3A_168, %mul3A_169 : i32
        %broadcast_in_dim3A_171 = vector.broadcast %mul3A_170 : i32 to vector<16xi32>
        %add3A_172 = arith.addi %broadcast_in_dim3A_171, %iota3A_148 : vector<16xi32>
        %scan3A_173 = arith.constant 0 : i32
        %scan3A_174 = arith.constant 4 : i32
        %scan3A_175 = arith.addi %scan3A_173, %scan3A_174 : i32
        %scan3A_176 = arith.constant 1 : i32
        %scan3A_177:4 = scf.for %scan3A_192 = %scan3A_173 to %scan3A_175 step %scan3A_176 iter_args(%scan3A_193 = %broadcast_in_dim3A_147, %scan3A_194 = %broadcast_in_dim3A_147, %scan3A_195 = %broadcast_in_dim3A_147, %scan3A_196 = %broadcast_in_dim3A_147) -> (vector<16xf32>, vector<16xf32>, vector<16xf32>, vector<16xf32>)  : i32 {
          %mul3A_197 = arith.constant 16 : i32
          %mul3A_198 = arith.muli %scan3A_192, %mul3A_197 : i32
          %broadcast_in_dim3A_199 = vector.broadcast %mul3A_198 : i32 to vector<16xi32>
          %add3A_200 = arith.addi %broadcast_in_dim3A_199, %iota3A_148 : vector<16xi32>
          %add3A_201 = arith.constant 0 : i32
          %add3A_202 = vector.broadcast %add3A_201 : i32 to vector<16xi32>
          %add3A_203 = arith.addi %add3A_200, %add3A_202 : vector<16xi32>
          %and3A = arith.constant 63 : i32
          %and3A_204 = vector.broadcast %and3A : i32 to vector<16xi32>
          %and3A_205 = arith.andi %add3A_203, %and3A_204 : vector<16xi32>
          %gather3A = tpu.vector_load_idx %arg14[%add3A_172, %and3A_205] : memref<80x64xi32, #tpu.memory_space<vmem>>[vector<16xi32>, vector<16xi32>], vector<16xi32>,
          %gather3A_206 = tpu.vector_load_idx %arg12[%add3A_172, %and3A_205] : memref<80x64xi32, #tpu.memory_space<vmem>>[vector<16xi32>, vector<16xi32>], vector<16xi32>,
          %bitcast3A = vector.bitcast %gather3A : vector<16xi32> to vector<32xbf16>
          %bitcast3A_207 = vector.bitcast %gather3A_206 : vector<16xi32> to vector<32xbf16>
          %mul3A_208 = arith.mulf %bitcast3A, %bitcast3A_207 : vector<32xbf16>
          %unpack3A = tpu.unpack_subelements %mul3A_208, 0 {pack_format = #tpu.pack_format<interleaved>} : vector<32xbf16> -> vector<16xf32>
          %unpack3A_209 = tpu.unpack_subelements %mul3A_208, 1 {pack_format = #tpu.pack_format<interleaved>} : vector<32xbf16> -> vector<16xf32>
          %add3A_210 = arith.addf %unpack3A, %unpack3A_209 : vector<16xf32>
          %add3A_211 = arith.constant 1 : i32
          %add3A_212 = vector.broadcast %add3A_211 : i32 to vector<16xi32>
          %add3A_213 = arith.addi %add3A_200, %add3A_212 : vector<16xi32>
          %and3A_214 = arith.constant 63 : i32
          %and3A_215 = vector.broadcast %and3A_214 : i32 to vector<16xi32>
          %and3A_216 = arith.andi %add3A_213, %and3A_215 : vector<16xi32>
          %gather3A_217 = tpu.vector_load_idx %arg14[%add3A_172, %and3A_216] : memref<80x64xi32, #tpu.memory_space<vmem>>[vector<16xi32>, vector<16xi32>], vector<16xi32>,
          %gather3A_218 = tpu.vector_load_idx %arg12[%add3A_172, %and3A_216] : memref<80x64xi32, #tpu.memory_space<vmem>>[vector<16xi32>, vector<16xi32>], vector<16xi32>,
          %bitcast3A_219 = vector.bitcast %gather3A_217 : vector<16xi32> to vector<32xbf16>
          %bitcast3A_220 = vector.bitcast %gather3A_218 : vector<16xi32> to vector<32xbf16>
          %mul3A_221 = arith.mulf %bitcast3A_219, %bitcast3A_220 : vector<32xbf16>
          %unpack3A_222 = tpu.unpack_subelements %mul3A_221, 0 {pack_format = #tpu.pack_format<interleaved>} : vector<32xbf16> -> vector<16xf32>
          %unpack3A_223 = tpu.unpack_subelements %mul3A_221, 1 {pack_format = #tpu.pack_format<interleaved>} : vector<32xbf16> -> vector<16xf32>
          %add3A_224 = arith.addf %unpack3A_222, %unpack3A_223 : vector<16xf32>
          %add3A_225 = arith.constant 2 : i32
          %add3A_226 = vector.broadcast %add3A_225 : i32 to vector<16xi32>
          %add3A_227 = arith.addi %add3A_200, %add3A_226 : vector<16xi32>
          %and3A_228 = arith.constant 63 : i32
          %and3A_229 = vector.broadcast %and3A_228 : i32 to vector<16xi32>
          %and3A_230 = arith.andi %add3A_227, %and3A_229 : vector<16xi32>
          %gather3A_231 = tpu.vector_load_idx %arg14[%add3A_172, %and3A_230] : memref<80x64xi32, #tpu.memory_space<vmem>>[vector<16xi32>, vector<16xi32>], vector<16xi32>,
          %gather3A_232 = tpu.vector_load_idx %arg12[%add3A_172, %and3A_230] : memref<80x64xi32, #tpu.memory_space<vmem>>[vector<16xi32>, vector<16xi32>], vector<16xi32>,
          %bitcast3A_233 = vector.bitcast %gather3A_231 : vector<16xi32> to vector<32xbf16>
          %bitcast3A_234 = vector.bitcast %gather3A_232 : vector<16xi32> to vector<32xbf16>
          %mul3A_235 = arith.mulf %bitcast3A_233, %bitcast3A_234 : vector<32xbf16>
          %unpack3A_236 = tpu.unpack_subelements %mul3A_235, 0 {pack_format = #tpu.pack_format<interleaved>} : vector<32xbf16> -> vector<16xf32>
          %unpack3A_237 = tpu.unpack_subelements %mul3A_235, 1 {pack_format = #tpu.pack_format<interleaved>} : vector<32xbf16> -> vector<16xf32>
          %add3A_238 = arith.addf %unpack3A_236, %unpack3A_237 : vector<16xf32>
          %add3A_239 = arith.constant 3 : i32
          %add3A_240 = vector.broadcast %add3A_239 : i32 to vector<16xi32>
          %add3A_241 = arith.addi %add3A_200, %add3A_240 : vector<16xi32>
          %and3A_242 = arith.constant 63 : i32
          %and3A_243 = vector.broadcast %and3A_242 : i32 to vector<16xi32>
          %and3A_244 = arith.andi %add3A_241, %and3A_243 : vector<16xi32>
          %gather3A_245 = tpu.vector_load_idx %arg14[%add3A_172, %and3A_244] : memref<80x64xi32, #tpu.memory_space<vmem>>[vector<16xi32>, vector<16xi32>], vector<16xi32>,
          %gather3A_246 = tpu.vector_load_idx %arg12[%add3A_172, %and3A_244] : memref<80x64xi32, #tpu.memory_space<vmem>>[vector<16xi32>, vector<16xi32>], vector<16xi32>,
          %bitcast3A_247 = vector.bitcast %gather3A_245 : vector<16xi32> to vector<32xbf16>
          %bitcast3A_248 = vector.bitcast %gather3A_246 : vector<16xi32> to vector<32xbf16>
          %mul3A_249 = arith.mulf %bitcast3A_247, %bitcast3A_248 : vector<32xbf16>
          %unpack3A_250 = tpu.unpack_subelements %mul3A_249, 0 {pack_format = #tpu.pack_format<interleaved>} : vector<32xbf16> -> vector<16xf32>
          %unpack3A_251 = tpu.unpack_subelements %mul3A_249, 1 {pack_format = #tpu.pack_format<interleaved>} : vector<32xbf16> -> vector<16xf32>
          %add3A_252 = arith.addf %unpack3A_250, %unpack3A_251 : vector<16xf32>
          %add3A_253 = arith.constant 4 : i32
          %add3A_254 = vector.broadcast %add3A_253 : i32 to vector<16xi32>
          %add3A_255 = arith.addi %add3A_200, %add3A_254 : vector<16xi32>
          %and3A_256 = arith.constant 63 : i32
          %and3A_257 = vector.broadcast %and3A_256 : i32 to vector<16xi32>
          %and3A_258 = arith.andi %add3A_255, %and3A_257 : vector<16xi32>
          %gather3A_259 = tpu.vector_load_idx %arg14[%add3A_172, %and3A_258] : memref<80x64xi32, #tpu.memory_space<vmem>>[vector<16xi32>, vector<16xi32>], vector<16xi32>,
          %gather3A_260 = tpu.vector_load_idx %arg12[%add3A_172, %and3A_258] : memref<80x64xi32, #tpu.memory_space<vmem>>[vector<16xi32>, vector<16xi32>], vector<16xi32>,
          %bitcast3A_261 = vector.bitcast %gather3A_259 : vector<16xi32> to vector<32xbf16>
          %bitcast3A_262 = vector.bitcast %gather3A_260 : vector<16xi32> to vector<32xbf16>
          %mul3A_263 = arith.mulf %bitcast3A_261, %bitcast3A_262 : vector<32xbf16>
          %unpack3A_264 = tpu.unpack_subelements %mul3A_263, 0 {pack_format = #tpu.pack_format<interleaved>} : vector<32xbf16> -> vector<16xf32>
          %unpack3A_265 = tpu.unpack_subelements %mul3A_263, 1 {pack_format = #tpu.pack_format<interleaved>} : vector<32xbf16> -> vector<16xf32>
          %add3A_266 = arith.addf %unpack3A_264, %unpack3A_265 : vector<16xf32>
          %add3A_267 = arith.constant 5 : i32
          %add3A_268 = vector.broadcast %add3A_267 : i32 to vector<16xi32>
          %add3A_269 = arith.addi %add3A_200, %add3A_268 : vector<16xi32>
          %and3A_270 = arith.constant 63 : i32
          %and3A_271 = vector.broadcast %and3A_270 : i32 to vector<16xi32>
          %and3A_272 = arith.andi %add3A_269, %and3A_271 : vector<16xi32>
          %gather3A_273 = tpu.vector_load_idx %arg14[%add3A_172, %and3A_272] : memref<80x64xi32, #tpu.memory_space<vmem>>[vector<16xi32>, vector<16xi32>], vector<16xi32>,
          %gather3A_274 = tpu.vector_load_idx %arg12[%add3A_172, %and3A_272] : memref<80x64xi32, #tpu.memory_space<vmem>>[vector<16xi32>, vector<16xi32>], vector<16xi32>,
          %bitcast3A_275 = vector.bitcast %gather3A_273 : vector<16xi32> to vector<32xbf16>
          %bitcast3A_276 = vector.bitcast %gather3A_274 : vector<16xi32> to vector<32xbf16>
          %mul3A_277 = arith.mulf %bitcast3A_275, %bitcast3A_276 : vector<32xbf16>
          %unpack3A_278 = tpu.unpack_subelements %mul3A_277, 0 {pack_format = #tpu.pack_format<interleaved>} : vector<32xbf16> -> vector<16xf32>
          %unpack3A_279 = tpu.unpack_subelements %mul3A_277, 1 {pack_format = #tpu.pack_format<interleaved>} : vector<32xbf16> -> vector<16xf32>
          %add3A_280 = arith.addf %unpack3A_278, %unpack3A_279 : vector<16xf32>
          %add3A_281 = arith.constant 6 : i32
          %add3A_282 = vector.broadcast %add3A_281 : i32 to vector<16xi32>
          %add3A_283 = arith.addi %add3A_200, %add3A_282 : vector<16xi32>
          %and3A_284 = arith.constant 63 : i32
          %and3A_285 = vector.broadcast %and3A_284 : i32 to vector<16xi32>
          %and3A_286 = arith.andi %add3A_283, %and3A_285 : vector<16xi32>
          %gather3A_287 = tpu.vector_load_idx %arg14[%add3A_172, %and3A_286] : memref<80x64xi32, #tpu.memory_space<vmem>>[vector<16xi32>, vector<16xi32>], vector<16xi32>,
          %gather3A_288 = tpu.vector_load_idx %arg12[%add3A_172, %and3A_286] : memref<80x64xi32, #tpu.memory_space<vmem>>[vector<16xi32>, vector<16xi32>], vector<16xi32>,
          %bitcast3A_289 = vector.bitcast %gather3A_287 : vector<16xi32> to vector<32xbf16>
          %bitcast3A_290 = vector.bitcast %gather3A_288 : vector<16xi32> to vector<32xbf16>
          %mul3A_291 = arith.mulf %bitcast3A_289, %bitcast3A_290 : vector<32xbf16>
          %unpack3A_292 = tpu.unpack_subelements %mul3A_291, 0 {pack_format = #tpu.pack_format<interleaved>} : vector<32xbf16> -> vector<16xf32>
          %unpack3A_293 = tpu.unpack_subelements %mul3A_291, 1 {pack_format = #tpu.pack_format<interleaved>} : vector<32xbf16> -> vector<16xf32>
          %add3A_294 = arith.addf %unpack3A_292, %unpack3A_293 : vector<16xf32>
          %add3A_295 = arith.constant 7 : i32
          %add3A_296 = vector.broadcast %add3A_295 : i32 to vector<16xi32>
          %add3A_297 = arith.addi %add3A_200, %add3A_296 : vector<16xi32>
          %and3A_298 = arith.constant 63 : i32
          %and3A_299 = vector.broadcast %and3A_298 : i32 to vector<16xi32>
          %and3A_300 = arith.andi %add3A_297, %and3A_299 : vector<16xi32>
          %gather3A_301 = tpu.vector_load_idx %arg14[%add3A_172, %and3A_300] : memref<80x64xi32, #tpu.memory_space<vmem>>[vector<16xi32>, vector<16xi32>], vector<16xi32>,
          %gather3A_302 = tpu.vector_load_idx %arg12[%add3A_172, %and3A_300] : memref<80x64xi32, #tpu.memory_space<vmem>>[vector<16xi32>, vector<16xi32>], vector<16xi32>,
          %bitcast3A_303 = vector.bitcast %gather3A_301 : vector<16xi32> to vector<32xbf16>
          %bitcast3A_304 = vector.bitcast %gather3A_302 : vector<16xi32> to vector<32xbf16>
          %mul3A_305 = arith.mulf %bitcast3A_303, %bitcast3A_304 : vector<32xbf16>
          %unpack3A_306 = tpu.unpack_subelements %mul3A_305, 0 {pack_format = #tpu.pack_format<interleaved>} : vector<32xbf16> -> vector<16xf32>
          %unpack3A_307 = tpu.unpack_subelements %mul3A_305, 1 {pack_format = #tpu.pack_format<interleaved>} : vector<32xbf16> -> vector<16xf32>
          %add3A_308 = arith.addf %unpack3A_306, %unpack3A_307 : vector<16xf32>
          %add3A_309 = arith.constant 8 : i32
          %add3A_310 = vector.broadcast %add3A_309 : i32 to vector<16xi32>
          %add3A_311 = arith.addi %add3A_200, %add3A_310 : vector<16xi32>
          %and3A_312 = arith.constant 63 : i32
          %and3A_313 = vector.broadcast %and3A_312 : i32 to vector<16xi32>
          %and3A_314 = arith.andi %add3A_311, %and3A_313 : vector<16xi32>
          %gather3A_315 = tpu.vector_load_idx %arg14[%add3A_172, %and3A_314] : memref<80x64xi32, #tpu.memory_space<vmem>>[vector<16xi32>, vector<16xi32>], vector<16xi32>,
          %gather3A_316 = tpu.vector_load_idx %arg12[%add3A_172, %and3A_314] : memref<80x64xi32, #tpu.memory_space<vmem>>[vector<16xi32>, vector<16xi32>], vector<16xi32>,
          %bitcast3A_317 = vector.bitcast %gather3A_315 : vector<16xi32> to vector<32xbf16>
          %bitcast3A_318 = vector.bitcast %gather3A_316 : vector<16xi32> to vector<32xbf16>
          %mul3A_319 = arith.mulf %bitcast3A_317, %bitcast3A_318 : vector<32xbf16>
          %unpack3A_320 = tpu.unpack_subelements %mul3A_319, 0 {pack_format = #tpu.pack_format<interleaved>} : vector<32xbf16> -> vector<16xf32>
          %unpack3A_321 = tpu.unpack_subelements %mul3A_319, 1 {pack_format = #tpu.pack_format<interleaved>} : vector<32xbf16> -> vector<16xf32>
          %add3A_322 = arith.addf %unpack3A_320, %unpack3A_321 : vector<16xf32>
          %add3A_323 = arith.constant 9 : i32
          %add3A_324 = vector.broadcast %add3A_323 : i32 to vector<16xi32>
          %add3A_325 = arith.addi %add3A_200, %add3A_324 : vector<16xi32>
          %and3A_326 = arith.constant 63 : i32
          %and3A_327 = vector.broadcast %and3A_326 : i32 to vector<16xi32>
          %and3A_328 = arith.andi %add3A_325, %and3A_327 : vector<16xi32>
          %gather3A_329 = tpu.vector_load_idx %arg14[%add3A_172, %and3A_328] : memref<80x64xi32, #tpu.memory_space<vmem>>[vector<16xi32>, vector<16xi32>], vector<16xi32>,
          %gather3A_330 = tpu.vector_load_idx %arg12[%add3A_172, %and3A_328] : memref<80x64xi32, #tpu.memory_space<vmem>>[vector<16xi32>, vector<16xi32>], vector<16xi32>,
          %bitcast3A_331 = vector.bitcast %gather3A_329 : vector<16xi32> to vector<32xbf16>
          %bitcast3A_332 = vector.bitcast %gather3A_330 : vector<16xi32> to vector<32xbf16>
          %mul3A_333 = arith.mulf %bitcast3A_331, %bitcast3A_332 : vector<32xbf16>
          %unpack3A_334 = tpu.unpack_subelements %mul3A_333, 0 {pack_format = #tpu.pack_format<interleaved>} : vector<32xbf16> -> vector<16xf32>
          %unpack3A_335 = tpu.unpack_subelements %mul3A_333, 1 {pack_format = #tpu.pack_format<interleaved>} : vector<32xbf16> -> vector<16xf32>
          %add3A_336 = arith.addf %unpack3A_334, %unpack3A_335 : vector<16xf32>
          %add3A_337 = arith.constant 10 : i32
          %add3A_338 = vector.broadcast %add3A_337 : i32 to vector<16xi32>
          %add3A_339 = arith.addi %add3A_200, %add3A_338 : vector<16xi32>
          %and3A_340 = arith.constant 63 : i32
          %and3A_341 = vector.broadcast %and3A_340 : i32 to vector<16xi32>
          %and3A_342 = arith.andi %add3A_339, %and3A_341 : vector<16xi32>
          %gather3A_343 = tpu.vector_load_idx %arg14[%add3A_172, %and3A_342] : memref<80x64xi32, #tpu.memory_space<vmem>>[vector<16xi32>, vector<16xi32>], vector<16xi32>,
          %gather3A_344 = tpu.vector_load_idx %arg12[%add3A_172, %and3A_342] : memref<80x64xi32, #tpu.memory_space<vmem>>[vector<16xi32>, vector<16xi32>], vector<16xi32>,
          %bitcast3A_345 = vector.bitcast %gather3A_343 : vector<16xi32> to vector<32xbf16>
          %bitcast3A_346 = vector.bitcast %gather3A_344 : vector<16xi32> to vector<32xbf16>
          %mul3A_347 = arith.mulf %bitcast3A_345, %bitcast3A_346 : vector<32xbf16>
          %unpack3A_348 = tpu.unpack_subelements %mul3A_347, 0 {pack_format = #tpu.pack_format<interleaved>} : vector<32xbf16> -> vector<16xf32>
          %unpack3A_349 = tpu.unpack_subelements %mul3A_347, 1 {pack_format = #tpu.pack_format<interleaved>} : vector<32xbf16> -> vector<16xf32>
          %add3A_350 = arith.addf %unpack3A_348, %unpack3A_349 : vector<16xf32>
          %add3A_351 = arith.constant 11 : i32
          %add3A_352 = vector.broadcast %add3A_351 : i32 to vector<16xi32>
          %add3A_353 = arith.addi %add3A_200, %add3A_352 : vector<16xi32>
          %and3A_354 = arith.constant 63 : i32
          %and3A_355 = vector.broadcast %and3A_354 : i32 to vector<16xi32>
          %and3A_356 = arith.andi %add3A_353, %and3A_355 : vector<16xi32>
          %gather3A_357 = tpu.vector_load_idx %arg14[%add3A_172, %and3A_356] : memref<80x64xi32, #tpu.memory_space<vmem>>[vector<16xi32>, vector<16xi32>], vector<16xi32>,
          %gather3A_358 = tpu.vector_load_idx %arg12[%add3A_172, %and3A_356] : memref<80x64xi32, #tpu.memory_space<vmem>>[vector<16xi32>, vector<16xi32>], vector<16xi32>,
          %bitcast3A_359 = vector.bitcast %gather3A_357 : vector<16xi32> to vector<32xbf16>
          %bitcast3A_360 = vector.bitcast %gather3A_358 : vector<16xi32> to vector<32xbf16>
          %mul3A_361 = arith.mulf %bitcast3A_359, %bitcast3A_360 : vector<32xbf16>
          %unpack3A_362 = tpu.unpack_subelements %mul3A_361, 0 {pack_format = #tpu.pack_format<interleaved>} : vector<32xbf16> -> vector<16xf32>
          %unpack3A_363 = tpu.unpack_subelements %mul3A_361, 1 {pack_format = #tpu.pack_format<interleaved>} : vector<32xbf16> -> vector<16xf32>
          %add3A_364 = arith.addf %unpack3A_362, %unpack3A_363 : vector<16xf32>
          %add3A_365 = arith.constant 12 : i32
          %add3A_366 = vector.broadcast %add3A_365 : i32 to vector<16xi32>
          %add3A_367 = arith.addi %add3A_200, %add3A_366 : vector<16xi32>
          %and3A_368 = arith.constant 63 : i32
          %and3A_369 = vector.broadcast %and3A_368 : i32 to vector<16xi32>
          %and3A_370 = arith.andi %add3A_367, %and3A_369 : vector<16xi32>
          %gather3A_371 = tpu.vector_load_idx %arg14[%add3A_172, %and3A_370] : memref<80x64xi32, #tpu.memory_space<vmem>>[vector<16xi32>, vector<16xi32>], vector<16xi32>,
          %gather3A_372 = tpu.vector_load_idx %arg12[%add3A_172, %and3A_370] : memref<80x64xi32, #tpu.memory_space<vmem>>[vector<16xi32>, vector<16xi32>], vector<16xi32>,
          %bitcast3A_373 = vector.bitcast %gather3A_371 : vector<16xi32> to vector<32xbf16>
          %bitcast3A_374 = vector.bitcast %gather3A_372 : vector<16xi32> to vector<32xbf16>
          %mul3A_375 = arith.mulf %bitcast3A_373, %bitcast3A_374 : vector<32xbf16>
          %unpack3A_376 = tpu.unpack_subelements %mul3A_375, 0 {pack_format = #tpu.pack_format<interleaved>} : vector<32xbf16> -> vector<16xf32>
          %unpack3A_377 = tpu.unpack_subelements %mul3A_375, 1 {pack_format = #tpu.pack_format<interleaved>} : vector<32xbf16> -> vector<16xf32>
          %add3A_378 = arith.addf %unpack3A_376, %unpack3A_377 : vector<16xf32>
          %add3A_379 = arith.constant 13 : i32
          %add3A_380 = vector.broadcast %add3A_379 : i32 to vector<16xi32>
          %add3A_381 = arith.addi %add3A_200, %add3A_380 : vector<16xi32>
          %and3A_382 = arith.constant 63 : i32
          %and3A_383 = vector.broadcast %and3A_382 : i32 to vector<16xi32>
          %and3A_384 = arith.andi %add3A_381, %and3A_383 : vector<16xi32>
          %gather3A_385 = tpu.vector_load_idx %arg14[%add3A_172, %and3A_384] : memref<80x64xi32, #tpu.memory_space<vmem>>[vector<16xi32>, vector<16xi32>], vector<16xi32>,
          %gather3A_386 = tpu.vector_load_idx %arg12[%add3A_172, %and3A_384] : memref<80x64xi32, #tpu.memory_space<vmem>>[vector<16xi32>, vector<16xi32>], vector<16xi32>,
          %bitcast3A_387 = vector.bitcast %gather3A_385 : vector<16xi32> to vector<32xbf16>
          %bitcast3A_388 = vector.bitcast %gather3A_386 : vector<16xi32> to vector<32xbf16>
          %mul3A_389 = arith.mulf %bitcast3A_387, %bitcast3A_388 : vector<32xbf16>
          %unpack3A_390 = tpu.unpack_subelements %mul3A_389, 0 {pack_format = #tpu.pack_format<interleaved>} : vector<32xbf16> -> vector<16xf32>
          %unpack3A_391 = tpu.unpack_subelements %mul3A_389, 1 {pack_format = #tpu.pack_format<interleaved>} : vector<32xbf16> -> vector<16xf32>
          %add3A_392 = arith.addf %unpack3A_390, %unpack3A_391 : vector<16xf32>
          %add3A_393 = arith.constant 14 : i32
          %add3A_394 = vector.broadcast %add3A_393 : i32 to vector<16xi32>
          %add3A_395 = arith.addi %add3A_200, %add3A_394 : vector<16xi32>
          %and3A_396 = arith.constant 63 : i32
          %and3A_397 = vector.broadcast %and3A_396 : i32 to vector<16xi32>
          %and3A_398 = arith.andi %add3A_395, %and3A_397 : vector<16xi32>
          %gather3A_399 = tpu.vector_load_idx %arg14[%add3A_172, %and3A_398] : memref<80x64xi32, #tpu.memory_space<vmem>>[vector<16xi32>, vector<16xi32>], vector<16xi32>,
          %gather3A_400 = tpu.vector_load_idx %arg12[%add3A_172, %and3A_398] : memref<80x64xi32, #tpu.memory_space<vmem>>[vector<16xi32>, vector<16xi32>], vector<16xi32>,
          %bitcast3A_401 = vector.bitcast %gather3A_399 : vector<16xi32> to vector<32xbf16>
          %bitcast3A_402 = vector.bitcast %gather3A_400 : vector<16xi32> to vector<32xbf16>
          %mul3A_403 = arith.mulf %bitcast3A_401, %bitcast3A_402 : vector<32xbf16>
          %unpack3A_404 = tpu.unpack_subelements %mul3A_403, 0 {pack_format = #tpu.pack_format<interleaved>} : vector<32xbf16> -> vector<16xf32>
          %unpack3A_405 = tpu.unpack_subelements %mul3A_403, 1 {pack_format = #tpu.pack_format<interleaved>} : vector<32xbf16> -> vector<16xf32>
          %add3A_406 = arith.addf %unpack3A_404, %unpack3A_405 : vector<16xf32>
          %add3A_407 = arith.constant 15 : i32
          %add3A_408 = vector.broadcast %add3A_407 : i32 to vector<16xi32>
          %add3A_409 = arith.addi %add3A_200, %add3A_408 : vector<16xi32>
          %and3A_410 = arith.constant 63 : i32
          %and3A_411 = vector.broadcast %and3A_410 : i32 to vector<16xi32>
          %and3A_412 = arith.andi %add3A_409, %and3A_411 : vector<16xi32>
          %gather3A_413 = tpu.vector_load_idx %arg14[%add3A_172, %and3A_412] : memref<80x64xi32, #tpu.memory_space<vmem>>[vector<16xi32>, vector<16xi32>], vector<16xi32>,
          %gather3A_414 = tpu.vector_load_idx %arg12[%add3A_172, %and3A_412] : memref<80x64xi32, #tpu.memory_space<vmem>>[vector<16xi32>, vector<16xi32>], vector<16xi32>,
          %bitcast3A_415 = vector.bitcast %gather3A_413 : vector<16xi32> to vector<32xbf16>
          %bitcast3A_416 = vector.bitcast %gather3A_414 : vector<16xi32> to vector<32xbf16>
          %mul3A_417 = arith.mulf %bitcast3A_415, %bitcast3A_416 : vector<32xbf16>
          %unpack3A_418 = tpu.unpack_subelements %mul3A_417, 0 {pack_format = #tpu.pack_format<interleaved>} : vector<32xbf16> -> vector<16xf32>
          %unpack3A_419 = tpu.unpack_subelements %mul3A_417, 1 {pack_format = #tpu.pack_format<interleaved>} : vector<32xbf16> -> vector<16xf32>
          %add3A_420 = arith.addf %unpack3A_418, %unpack3A_419 : vector<16xf32>
          %add3A_421 = arith.addf %scan3A_193, %add3A_210 : vector<16xf32>
          %add3A_422 = arith.addf %scan3A_194, %add3A_224 : vector<16xf32>
          %add3A_423 = arith.addf %scan3A_195, %add3A_238 : vector<16xf32>
          %add3A_424 = arith.addf %scan3A_196, %add3A_252 : vector<16xf32>
          %add3A_425 = arith.addf %add3A_421, %add3A_266 : vector<16xf32>
          %add3A_426 = arith.addf %add3A_422, %add3A_280 : vector<16xf32>
          %add3A_427 = arith.addf %add3A_423, %add3A_294 : vector<16xf32>
          %add3A_428 = arith.addf %add3A_424, %add3A_308 : vector<16xf32>
          %add3A_429 = arith.addf %add3A_425, %add3A_322 : vector<16xf32>
          %add3A_430 = arith.addf %add3A_426, %add3A_336 : vector<16xf32>
          %add3A_431 = arith.addf %add3A_427, %add3A_350 : vector<16xf32>
          %add3A_432 = arith.addf %add3A_428, %add3A_364 : vector<16xf32>
          %add3A_433 = arith.addf %add3A_429, %add3A_378 : vector<16xf32>
          %add3A_434 = arith.addf %add3A_430, %add3A_392 : vector<16xf32>
          %add3A_435 = arith.addf %add3A_431, %add3A_406 : vector<16xf32>
          %add3A_436 = arith.addf %add3A_432, %add3A_420 : vector<16xf32>
          scf.yield %add3A_433, %add3A_434, %add3A_435, %add3A_436 : vector<16xf32>, vector<16xf32>, vector<16xf32>, vector<16xf32>
        }
        %scan3A_178 = arith.constant 4 : i32
        %add3A_179 = arith.addf %scan3A_177#0, %scan3A_177#1 : vector<16xf32>
        %add3A_180 = arith.addf %scan3A_177#2, %scan3A_177#3 : vector<16xf32>
        %add3A_181 = arith.addf %add3A_179, %add3A_180 : vector<16xf32>
        %neg3A = arith.constant 0.000000e+00 : f32
        %neg3A_182 = vector.broadcast %neg3A : f32 to vector<16xf32>
        %neg3A_183 = arith.subf %neg3A_182, %add3A_181 : vector<16xf32>
        %exp3A = math.exp %neg3A_183 : vector<16xf32>
        %add3A_184 = arith.constant 1.000000e+00 : f32
        %add3A_185 = vector.broadcast %add3A_184 : f32 to vector<16xf32>
        %add3A_186 = arith.addf %add3A_185, %exp3A : vector<16xf32>
        %div3A = arith.constant 1.000000e+00 : f32
        %div3A_187 = vector.broadcast %div3A : f32 to vector<16xf32>
        %div3A_188 = arith.divf %div3A_187, %add3A_186 : vector<16xf32>
        %mul3A_189 = arith.constant 16 : i32
        %mul3A_190 = arith.muli %scan3A_168, %mul3A_189 : i32
        %swap3A = arith.index_cast %mul3A_190 : i32 to index
        %swap3A_191 = tpu.vector_load %arg10[%swap3A] {strides = array<i32>} : memref<80xf32, #tpu.memory_space<vmem>>, vector<16xf32>,
        tpu.vector_store %arg10[%swap3A], %div3A_188 {strides = array<i32>} : memref<80xf32, #tpu.memory_space<vmem>>, vector<16xf32>,
      }
      %scan3A_154 = arith.constant 5 : i32
      %dma_start3A_155 = arith.constant 0 : i32
      %dma_start3A_156 = tpu.memref_slice %arg5[%add3A, %add3A_128, %dma_start3A_155] : memref<32x125x80xf32, #tpu.memory_space<hbm>> -> memref<1x1x80xf32, #tpu.memory_space<hbm>>
      %dma_start3A_157 = tpu.memref_squeeze %dma_start3A_156 : memref<1x1x80xf32, #tpu.memory_space<hbm>> -> memref<80xf32, #tpu.memory_space<hbm>>
      %dma_start3A_158 = arith.constant 0 : i32
      %dma_start3A_159 = tpu.memref_slice %arg5[%add3A, %add3A_128, %dma_start3A_158] : memref<32x125x80xf32, #tpu.memory_space<hbm>> -> memref<1x1x80xf32, #tpu.memory_space<hbm>>
      %dma_start3A_160 = tpu.memref_squeeze %dma_start3A_159 : memref<1x1x80xf32, #tpu.memory_space<hbm>> -> memref<80xf32, #tpu.memory_space<hbm>>
      tpu.enqueue_dma source(%arg10 : memref<80xf32, #tpu.memory_space<vmem>>) target(%dma_start3A_160 : memref<80xf32, #tpu.memory_space<hbm>>) target_semaphore(%arg8 : memref<!tpu.dma_semaphore, #tpu.memory_space<semaphore_mem>>)
      %add3A_161 = arith.constant 2 : i32
      %add3A_162 = arith.addi %add3A_128, %add3A_161 : i32
      %lt3A_163 = arith.constant 125 : i32
      %lt3A_164 = arith.cmpi slt, %add3A_162, %lt3A_163 : i32
      %convert_element_type3A_165 = arith.extui %lt3A_164 : i1 to i32
      %cond3A_166 = arith.constant 0 : i32
      %cond3A_167 = arith.cmpi ne, %convert_element_type3A_165, %cond3A_166 : i32
      scf.if %cond3A_167 {
        %add3A_168 = arith.constant 2 : i32
        %add3A_169 = arith.addi %add3A_128, %add3A_168 : i32
        %dma_start3A_170 = arith.constant 0 : i32
        %dma_start3A_171 = tpu.memref_slice %arg17[%add3A_169, %dma_start3A_170] : memref<125x80xi32, #tpu.memory_space<vmem>> -> memref<1x80xi32, #tpu.memory_space<vmem>>
        %dma_start3A_172 = tpu.memref_squeeze %dma_start3A_171 : memref<1x80xi32, #tpu.memory_space<vmem>> -> memref<80xi32, #tpu.memory_space<vmem>>
        %dma_start3A_173 = arith.constant 0 : i32
        %dma_start3A_174 = arith.constant 0 : i32
        %dma_start3A_175 = tpu.memref_slice %arg18[%dma_start3A_173, %dma_start3A_174] : memref<10000x64xi32, #tpu.memory_space<vmem_shared>> -> memref<10000x64xi32, #tpu.memory_space<vmem_shared>>
        tpu.enqueue_indirect_dma source(%dma_start3A_175 : memref<10000x64xi32, #tpu.memory_space<vmem_shared>>) target(%arg14 : memref<80x64xi32, #tpu.memory_space<vmem>>) offsets(%dma_start3A_172 : memref<80xi32, #tpu.memory_space<vmem>>) semaphore(%arg16 : memref<!tpu.dma_semaphore, #tpu.memory_space<semaphore_mem>>)
        %dma_start3A_176 = arith.constant 0 : i32
        %dma_start3A_177 = tpu.memref_slice %arg6[%add3A_169, %dma_start3A_176] : memref<125x80xi32, #tpu.memory_space<vmem>> -> memref<1x80xi32, #tpu.memory_space<vmem>>
        %dma_start3A_178 = tpu.memref_squeeze %dma_start3A_177 : memref<1x80xi32, #tpu.memory_space<vmem>> -> memref<80xi32, #tpu.memory_space<vmem>>
        %dma_start3A_179 = arith.constant 0 : i32
        %dma_start3A_180 = arith.constant 0 : i32
        %dma_start3A_181 = tpu.memref_slice %arg18[%dma_start3A_179, %dma_start3A_180] : memref<10000x64xi32, #tpu.memory_space<vmem_shared>> -> memref<10000x64xi32, #tpu.memory_space<vmem_shared>>
        tpu.enqueue_indirect_dma source(%dma_start3A_181 : memref<10000x64xi32, #tpu.memory_space<vmem_shared>>) target(%arg12 : memref<80x64xi32, #tpu.memory_space<vmem>>) offsets(%dma_start3A_178 : memref<80xi32, #tpu.memory_space<vmem>>) semaphore(%arg16 : memref<!tpu.dma_semaphore, #tpu.memory_space<semaphore_mem>>)
      } else {
      }
    }
    %scan3A_36 = arith.constant 62 : i32
    %dma_wait3A = arith.constant 124 : i32
    %dma_wait3A_37 = arith.constant 0 : i32
    %dma_wait3A_38 = tpu.memref_slice %arg17[%dma_wait3A, %dma_wait3A_37] : memref<125x80xi32, #tpu.memory_space<vmem>> -> memref<1x80xi32, #tpu.memory_space<vmem>>
    %dma_wait3A_39 = tpu.memref_squeeze %dma_wait3A_38 : memref<1x80xi32, #tpu.memory_space<vmem>> -> memref<80xi32, #tpu.memory_space<vmem>>
    %dma_wait3A_40 = arith.constant 0 : i32
    %dma_wait3A_41 = arith.constant 0 : i32
    %dma_wait3A_42 = tpu.memref_slice %arg18[%dma_wait3A_40, %dma_wait3A_41] : memref<10000x64xi32, #tpu.memory_space<vmem_shared>> -> memref<10000x64xi32, #tpu.memory_space<vmem_shared>>
    tpu.wait_indirect_dma semaphore(%arg15 : memref<!tpu.dma_semaphore, #tpu.memory_space<semaphore_mem>>) src(%dma_wait3A_42 : memref<10000x64xi32, #tpu.memory_space<vmem_shared>>) dst(%arg13 : memref<80x64xi32, #tpu.memory_space<vmem>>)
    %dma_wait3A_43 = arith.constant 124 : i32
    %dma_wait3A_44 = arith.constant 0 : i32
    %dma_wait3A_45 = tpu.memref_slice %arg6[%dma_wait3A_43, %dma_wait3A_44] : memref<125x80xi32, #tpu.memory_space<vmem>> -> memref<1x80xi32, #tpu.memory_space<vmem>>
    %dma_wait3A_46 = tpu.memref_squeeze %dma_wait3A_45 : memref<1x80xi32, #tpu.memory_space<vmem>> -> memref<80xi32, #tpu.memory_space<vmem>>
    %dma_wait3A_47 = arith.constant 0 : i32
    %dma_wait3A_48 = arith.constant 0 : i32
    %dma_wait3A_49 = tpu.memref_slice %arg18[%dma_wait3A_47, %dma_wait3A_48] : memref<10000x64xi32, #tpu.memory_space<vmem_shared>> -> memref<10000x64xi32, #tpu.memory_space<vmem_shared>>
    tpu.wait_indirect_dma semaphore(%arg15 : memref<!tpu.dma_semaphore, #tpu.memory_space<semaphore_mem>>) src(%dma_wait3A_49 : memref<10000x64xi32, #tpu.memory_space<vmem_shared>>) dst(%arg11 : memref<80x64xi32, #tpu.memory_space<vmem>>)
    %dma_wait3A_50 = arith.constant 0 : i32
    %dma_wait3A_51 = arith.constant 0 : i32
    %dma_wait3A_52 = tpu.memref_slice %arg5[%add3A, %dma_wait3A_50, %dma_wait3A_51] : memref<32x125x80xf32, #tpu.memory_space<hbm>> -> memref<1x1x80xf32, #tpu.memory_space<hbm>>
    %dma_wait3A_53 = tpu.memref_squeeze %dma_wait3A_52 : memref<1x1x80xf32, #tpu.memory_space<hbm>> -> memref<80xf32, #tpu.memory_space<hbm>>
    %dma_wait3A_54 = arith.constant 0 : i32
    %dma_wait3A_55 = tpu.memref_slice %arg5[%add3A, %dma_wait3A_50, %dma_wait3A_54] : memref<32x125x80xf32, #tpu.memory_space<hbm>> -> memref<1x1x80xf32, #tpu.memory_space<hbm>>
    %dma_wait3A_56 = tpu.memref_squeeze %dma_wait3A_55 : memref<1x1x80xf32, #tpu.memory_space<hbm>> -> memref<80xf32, #tpu.memory_space<hbm>>
    tpu.wait_dma2 semaphore(%arg7 : memref<!tpu.dma_semaphore, #tpu.memory_space<semaphore_mem>>) src(%arg9 : memref<80xf32, #tpu.memory_space<vmem>>) dst(%dma_wait3A_56 : memref<80xf32, #tpu.memory_space<hbm>>)
    %broadcast_in_dim3A = arith.constant 0.000000e+00 : f32
    %broadcast_in_dim3A_57 = vector.broadcast %broadcast_in_dim3A : f32 to vector<16xf32>
    %iota3A = tpu.iota {dimensions = array<i32: 0>} : vector<16xi32>
    %scan3A_58 = arith.constant 0 : i32
    %scan3A_59 = arith.constant 0 : i32
    %scan3A_60 = arith.constant 5 : i32
    %scan3A_61 = arith.addi %scan3A_59, %scan3A_60 : i32
    %scan3A_62 = arith.constant 1 : i32
    scf.for %scan3A_85 = %scan3A_59 to %scan3A_61 step %scan3A_62  : i32 {
      %mul3A_86 = arith.constant 16 : i32
      %mul3A_87 = arith.muli %scan3A_85, %mul3A_86 : i32
      %broadcast_in_dim3A_88 = vector.broadcast %mul3A_87 : i32 to vector<16xi32>
      %add3A_89 = arith.addi %broadcast_in_dim3A_88, %iota3A : vector<16xi32>
      %scan3A_90 = arith.constant 0 : i32
      %scan3A_91 = arith.constant 4 : i32
      %scan3A_92 = arith.addi %scan3A_90, %scan3A_91 : i32
      %scan3A_93 = arith.constant 1 : i32
      %scan3A_94:4 = scf.for %scan3A_109 = %scan3A_90 to %scan3A_92 step %scan3A_93 iter_args(%scan3A_110 = %broadcast_in_dim3A_57, %scan3A_111 = %broadcast_in_dim3A_57, %scan3A_112 = %broadcast_in_dim3A_57, %scan3A_113 = %broadcast_in_dim3A_57) -> (vector<16xf32>, vector<16xf32>, vector<16xf32>, vector<16xf32>)  : i32 {
        %mul3A_114 = arith.constant 16 : i32
        %mul3A_115 = arith.muli %scan3A_109, %mul3A_114 : i32
        %broadcast_in_dim3A_116 = vector.broadcast %mul3A_115 : i32 to vector<16xi32>
        %add3A_117 = arith.addi %broadcast_in_dim3A_116, %iota3A : vector<16xi32>
        %add3A_118 = arith.constant 0 : i32
        %add3A_119 = vector.broadcast %add3A_118 : i32 to vector<16xi32>
        %add3A_120 = arith.addi %add3A_117, %add3A_119 : vector<16xi32>
        %and3A = arith.constant 63 : i32
        %and3A_121 = vector.broadcast %and3A : i32 to vector<16xi32>
        %and3A_122 = arith.andi %add3A_120, %and3A_121 : vector<16xi32>
        %gather3A = tpu.vector_load_idx %arg13[%add3A_89, %and3A_122] : memref<80x64xi32, #tpu.memory_space<vmem>>[vector<16xi32>, vector<16xi32>], vector<16xi32>,
        %gather3A_123 = tpu.vector_load_idx %arg11[%add3A_89, %and3A_122] : memref<80x64xi32, #tpu.memory_space<vmem>>[vector<16xi32>, vector<16xi32>], vector<16xi32>,
        %bitcast3A = vector.bitcast %gather3A : vector<16xi32> to vector<32xbf16>
        %bitcast3A_124 = vector.bitcast %gather3A_123 : vector<16xi32> to vector<32xbf16>
        %mul3A_125 = arith.mulf %bitcast3A, %bitcast3A_124 : vector<32xbf16>
        %unpack3A = tpu.unpack_subelements %mul3A_125, 0 {pack_format = #tpu.pack_format<interleaved>} : vector<32xbf16> -> vector<16xf32>
        %unpack3A_126 = tpu.unpack_subelements %mul3A_125, 1 {pack_format = #tpu.pack_format<interleaved>} : vector<32xbf16> -> vector<16xf32>
        %add3A_127 = arith.addf %unpack3A, %unpack3A_126 : vector<16xf32>
        %add3A_128 = arith.constant 1 : i32
        %add3A_129 = vector.broadcast %add3A_128 : i32 to vector<16xi32>
        %add3A_130 = arith.addi %add3A_117, %add3A_129 : vector<16xi32>
        %and3A_131 = arith.constant 63 : i32
        %and3A_132 = vector.broadcast %and3A_131 : i32 to vector<16xi32>
        %and3A_133 = arith.andi %add3A_130, %and3A_132 : vector<16xi32>
        %gather3A_134 = tpu.vector_load_idx %arg13[%add3A_89, %and3A_133] : memref<80x64xi32, #tpu.memory_space<vmem>>[vector<16xi32>, vector<16xi32>], vector<16xi32>,
        %gather3A_135 = tpu.vector_load_idx %arg11[%add3A_89, %and3A_133] : memref<80x64xi32, #tpu.memory_space<vmem>>[vector<16xi32>, vector<16xi32>], vector<16xi32>,
        %bitcast3A_136 = vector.bitcast %gather3A_134 : vector<16xi32> to vector<32xbf16>
        %bitcast3A_137 = vector.bitcast %gather3A_135 : vector<16xi32> to vector<32xbf16>
        %mul3A_138 = arith.mulf %bitcast3A_136, %bitcast3A_137 : vector<32xbf16>
        %unpack3A_139 = tpu.unpack_subelements %mul3A_138, 0 {pack_format = #tpu.pack_format<interleaved>} : vector<32xbf16> -> vector<16xf32>
        %unpack3A_140 = tpu.unpack_subelements %mul3A_138, 1 {pack_format = #tpu.pack_format<interleaved>} : vector<32xbf16> -> vector<16xf32>
        %add3A_141 = arith.addf %unpack3A_139, %unpack3A_140 : vector<16xf32>
        %add3A_142 = arith.constant 2 : i32
        %add3A_143 = vector.broadcast %add3A_142 : i32 to vector<16xi32>
        %add3A_144 = arith.addi %add3A_117, %add3A_143 : vector<16xi32>
        %and3A_145 = arith.constant 63 : i32
        %and3A_146 = vector.broadcast %and3A_145 : i32 to vector<16xi32>
        %and3A_147 = arith.andi %add3A_144, %and3A_146 : vector<16xi32>
        %gather3A_148 = tpu.vector_load_idx %arg13[%add3A_89, %and3A_147] : memref<80x64xi32, #tpu.memory_space<vmem>>[vector<16xi32>, vector<16xi32>], vector<16xi32>,
        %gather3A_149 = tpu.vector_load_idx %arg11[%add3A_89, %and3A_147] : memref<80x64xi32, #tpu.memory_space<vmem>>[vector<16xi32>, vector<16xi32>], vector<16xi32>,
        %bitcast3A_150 = vector.bitcast %gather3A_148 : vector<16xi32> to vector<32xbf16>
        %bitcast3A_151 = vector.bitcast %gather3A_149 : vector<16xi32> to vector<32xbf16>
        %mul3A_152 = arith.mulf %bitcast3A_150, %bitcast3A_151 : vector<32xbf16>
        %unpack3A_153 = tpu.unpack_subelements %mul3A_152, 0 {pack_format = #tpu.pack_format<interleaved>} : vector<32xbf16> -> vector<16xf32>
        %unpack3A_154 = tpu.unpack_subelements %mul3A_152, 1 {pack_format = #tpu.pack_format<interleaved>} : vector<32xbf16> -> vector<16xf32>
        %add3A_155 = arith.addf %unpack3A_153, %unpack3A_154 : vector<16xf32>
        %add3A_156 = arith.constant 3 : i32
        %add3A_157 = vector.broadcast %add3A_156 : i32 to vector<16xi32>
        %add3A_158 = arith.addi %add3A_117, %add3A_157 : vector<16xi32>
        %and3A_159 = arith.constant 63 : i32
        %and3A_160 = vector.broadcast %and3A_159 : i32 to vector<16xi32>
        %and3A_161 = arith.andi %add3A_158, %and3A_160 : vector<16xi32>
        %gather3A_162 = tpu.vector_load_idx %arg13[%add3A_89, %and3A_161] : memref<80x64xi32, #tpu.memory_space<vmem>>[vector<16xi32>, vector<16xi32>], vector<16xi32>,
        %gather3A_163 = tpu.vector_load_idx %arg11[%add3A_89, %and3A_161] : memref<80x64xi32, #tpu.memory_space<vmem>>[vector<16xi32>, vector<16xi32>], vector<16xi32>,
        %bitcast3A_164 = vector.bitcast %gather3A_162 : vector<16xi32> to vector<32xbf16>
        %bitcast3A_165 = vector.bitcast %gather3A_163 : vector<16xi32> to vector<32xbf16>
        %mul3A_166 = arith.mulf %bitcast3A_164, %bitcast3A_165 : vector<32xbf16>
        %unpack3A_167 = tpu.unpack_subelements %mul3A_166, 0 {pack_format = #tpu.pack_format<interleaved>} : vector<32xbf16> -> vector<16xf32>
        %unpack3A_168 = tpu.unpack_subelements %mul3A_166, 1 {pack_format = #tpu.pack_format<interleaved>} : vector<32xbf16> -> vector<16xf32>
        %add3A_169 = arith.addf %unpack3A_167, %unpack3A_168 : vector<16xf32>
        %add3A_170 = arith.constant 4 : i32
        %add3A_171 = vector.broadcast %add3A_170 : i32 to vector<16xi32>
        %add3A_172 = arith.addi %add3A_117, %add3A_171 : vector<16xi32>
        %and3A_173 = arith.constant 63 : i32
        %and3A_174 = vector.broadcast %and3A_173 : i32 to vector<16xi32>
        %and3A_175 = arith.andi %add3A_172, %and3A_174 : vector<16xi32>
        %gather3A_176 = tpu.vector_load_idx %arg13[%add3A_89, %and3A_175] : memref<80x64xi32, #tpu.memory_space<vmem>>[vector<16xi32>, vector<16xi32>], vector<16xi32>,
        %gather3A_177 = tpu.vector_load_idx %arg11[%add3A_89, %and3A_175] : memref<80x64xi32, #tpu.memory_space<vmem>>[vector<16xi32>, vector<16xi32>], vector<16xi32>,
        %bitcast3A_178 = vector.bitcast %gather3A_176 : vector<16xi32> to vector<32xbf16>
        %bitcast3A_179 = vector.bitcast %gather3A_177 : vector<16xi32> to vector<32xbf16>
        %mul3A_180 = arith.mulf %bitcast3A_178, %bitcast3A_179 : vector<32xbf16>
        %unpack3A_181 = tpu.unpack_subelements %mul3A_180, 0 {pack_format = #tpu.pack_format<interleaved>} : vector<32xbf16> -> vector<16xf32>
        %unpack3A_182 = tpu.unpack_subelements %mul3A_180, 1 {pack_format = #tpu.pack_format<interleaved>} : vector<32xbf16> -> vector<16xf32>
        %add3A_183 = arith.addf %unpack3A_181, %unpack3A_182 : vector<16xf32>
        %add3A_184 = arith.constant 5 : i32
        %add3A_185 = vector.broadcast %add3A_184 : i32 to vector<16xi32>
        %add3A_186 = arith.addi %add3A_117, %add3A_185 : vector<16xi32>
        %and3A_187 = arith.constant 63 : i32
        %and3A_188 = vector.broadcast %and3A_187 : i32 to vector<16xi32>
        %and3A_189 = arith.andi %add3A_186, %and3A_188 : vector<16xi32>
        %gather3A_190 = tpu.vector_load_idx %arg13[%add3A_89, %and3A_189] : memref<80x64xi32, #tpu.memory_space<vmem>>[vector<16xi32>, vector<16xi32>], vector<16xi32>,
        %gather3A_191 = tpu.vector_load_idx %arg11[%add3A_89, %and3A_189] : memref<80x64xi32, #tpu.memory_space<vmem>>[vector<16xi32>, vector<16xi32>], vector<16xi32>,
        %bitcast3A_192 = vector.bitcast %gather3A_190 : vector<16xi32> to vector<32xbf16>
        %bitcast3A_193 = vector.bitcast %gather3A_191 : vector<16xi32> to vector<32xbf16>
        %mul3A_194 = arith.mulf %bitcast3A_192, %bitcast3A_193 : vector<32xbf16>
        %unpack3A_195 = tpu.unpack_subelements %mul3A_194, 0 {pack_format = #tpu.pack_format<interleaved>} : vector<32xbf16> -> vector<16xf32>
        %unpack3A_196 = tpu.unpack_subelements %mul3A_194, 1 {pack_format = #tpu.pack_format<interleaved>} : vector<32xbf16> -> vector<16xf32>
        %add3A_197 = arith.addf %unpack3A_195, %unpack3A_196 : vector<16xf32>
        %add3A_198 = arith.constant 6 : i32
        %add3A_199 = vector.broadcast %add3A_198 : i32 to vector<16xi32>
        %add3A_200 = arith.addi %add3A_117, %add3A_199 : vector<16xi32>
        %and3A_201 = arith.constant 63 : i32
        %and3A_202 = vector.broadcast %and3A_201 : i32 to vector<16xi32>
        %and3A_203 = arith.andi %add3A_200, %and3A_202 : vector<16xi32>
        %gather3A_204 = tpu.vector_load_idx %arg13[%add3A_89, %and3A_203] : memref<80x64xi32, #tpu.memory_space<vmem>>[vector<16xi32>, vector<16xi32>], vector<16xi32>,
        %gather3A_205 = tpu.vector_load_idx %arg11[%add3A_89, %and3A_203] : memref<80x64xi32, #tpu.memory_space<vmem>>[vector<16xi32>, vector<16xi32>], vector<16xi32>,
        %bitcast3A_206 = vector.bitcast %gather3A_204 : vector<16xi32> to vector<32xbf16>
        %bitcast3A_207 = vector.bitcast %gather3A_205 : vector<16xi32> to vector<32xbf16>
        %mul3A_208 = arith.mulf %bitcast3A_206, %bitcast3A_207 : vector<32xbf16>
        %unpack3A_209 = tpu.unpack_subelements %mul3A_208, 0 {pack_format = #tpu.pack_format<interleaved>} : vector<32xbf16> -> vector<16xf32>
        %unpack3A_210 = tpu.unpack_subelements %mul3A_208, 1 {pack_format = #tpu.pack_format<interleaved>} : vector<32xbf16> -> vector<16xf32>
        %add3A_211 = arith.addf %unpack3A_209, %unpack3A_210 : vector<16xf32>
        %add3A_212 = arith.constant 7 : i32
        %add3A_213 = vector.broadcast %add3A_212 : i32 to vector<16xi32>
        %add3A_214 = arith.addi %add3A_117, %add3A_213 : vector<16xi32>
        %and3A_215 = arith.constant 63 : i32
        %and3A_216 = vector.broadcast %and3A_215 : i32 to vector<16xi32>
        %and3A_217 = arith.andi %add3A_214, %and3A_216 : vector<16xi32>
        %gather3A_218 = tpu.vector_load_idx %arg13[%add3A_89, %and3A_217] : memref<80x64xi32, #tpu.memory_space<vmem>>[vector<16xi32>, vector<16xi32>], vector<16xi32>,
        %gather3A_219 = tpu.vector_load_idx %arg11[%add3A_89, %and3A_217] : memref<80x64xi32, #tpu.memory_space<vmem>>[vector<16xi32>, vector<16xi32>], vector<16xi32>,
        %bitcast3A_220 = vector.bitcast %gather3A_218 : vector<16xi32> to vector<32xbf16>
        %bitcast3A_221 = vector.bitcast %gather3A_219 : vector<16xi32> to vector<32xbf16>
        %mul3A_222 = arith.mulf %bitcast3A_220, %bitcast3A_221 : vector<32xbf16>
        %unpack3A_223 = tpu.unpack_subelements %mul3A_222, 0 {pack_format = #tpu.pack_format<interleaved>} : vector<32xbf16> -> vector<16xf32>
        %unpack3A_224 = tpu.unpack_subelements %mul3A_222, 1 {pack_format = #tpu.pack_format<interleaved>} : vector<32xbf16> -> vector<16xf32>
        %add3A_225 = arith.addf %unpack3A_223, %unpack3A_224 : vector<16xf32>
        %add3A_226 = arith.constant 8 : i32
        %add3A_227 = vector.broadcast %add3A_226 : i32 to vector<16xi32>
        %add3A_228 = arith.addi %add3A_117, %add3A_227 : vector<16xi32>
        %and3A_229 = arith.constant 63 : i32
        %and3A_230 = vector.broadcast %and3A_229 : i32 to vector<16xi32>
        %and3A_231 = arith.andi %add3A_228, %and3A_230 : vector<16xi32>
        %gather3A_232 = tpu.vector_load_idx %arg13[%add3A_89, %and3A_231] : memref<80x64xi32, #tpu.memory_space<vmem>>[vector<16xi32>, vector<16xi32>], vector<16xi32>,
        %gather3A_233 = tpu.vector_load_idx %arg11[%add3A_89, %and3A_231] : memref<80x64xi32, #tpu.memory_space<vmem>>[vector<16xi32>, vector<16xi32>], vector<16xi32>,
        %bitcast3A_234 = vector.bitcast %gather3A_232 : vector<16xi32> to vector<32xbf16>
        %bitcast3A_235 = vector.bitcast %gather3A_233 : vector<16xi32> to vector<32xbf16>
        %mul3A_236 = arith.mulf %bitcast3A_234, %bitcast3A_235 : vector<32xbf16>
        %unpack3A_237 = tpu.unpack_subelements %mul3A_236, 0 {pack_format = #tpu.pack_format<interleaved>} : vector<32xbf16> -> vector<16xf32>
        %unpack3A_238 = tpu.unpack_subelements %mul3A_236, 1 {pack_format = #tpu.pack_format<interleaved>} : vector<32xbf16> -> vector<16xf32>
        %add3A_239 = arith.addf %unpack3A_237, %unpack3A_238 : vector<16xf32>
        %add3A_240 = arith.constant 9 : i32
        %add3A_241 = vector.broadcast %add3A_240 : i32 to vector<16xi32>
        %add3A_242 = arith.addi %add3A_117, %add3A_241 : vector<16xi32>
        %and3A_243 = arith.constant 63 : i32
        %and3A_244 = vector.broadcast %and3A_243 : i32 to vector<16xi32>
        %and3A_245 = arith.andi %add3A_242, %and3A_244 : vector<16xi32>
        %gather3A_246 = tpu.vector_load_idx %arg13[%add3A_89, %and3A_245] : memref<80x64xi32, #tpu.memory_space<vmem>>[vector<16xi32>, vector<16xi32>], vector<16xi32>,
        %gather3A_247 = tpu.vector_load_idx %arg11[%add3A_89, %and3A_245] : memref<80x64xi32, #tpu.memory_space<vmem>>[vector<16xi32>, vector<16xi32>], vector<16xi32>,
        %bitcast3A_248 = vector.bitcast %gather3A_246 : vector<16xi32> to vector<32xbf16>
        %bitcast3A_249 = vector.bitcast %gather3A_247 : vector<16xi32> to vector<32xbf16>
        %mul3A_250 = arith.mulf %bitcast3A_248, %bitcast3A_249 : vector<32xbf16>
        %unpack3A_251 = tpu.unpack_subelements %mul3A_250, 0 {pack_format = #tpu.pack_format<interleaved>} : vector<32xbf16> -> vector<16xf32>
        %unpack3A_252 = tpu.unpack_subelements %mul3A_250, 1 {pack_format = #tpu.pack_format<interleaved>} : vector<32xbf16> -> vector<16xf32>
        %add3A_253 = arith.addf %unpack3A_251, %unpack3A_252 : vector<16xf32>
        %add3A_254 = arith.constant 10 : i32
        %add3A_255 = vector.broadcast %add3A_254 : i32 to vector<16xi32>
        %add3A_256 = arith.addi %add3A_117, %add3A_255 : vector<16xi32>
        %and3A_257 = arith.constant 63 : i32
        %and3A_258 = vector.broadcast %and3A_257 : i32 to vector<16xi32>
        %and3A_259 = arith.andi %add3A_256, %and3A_258 : vector<16xi32>
        %gather3A_260 = tpu.vector_load_idx %arg13[%add3A_89, %and3A_259] : memref<80x64xi32, #tpu.memory_space<vmem>>[vector<16xi32>, vector<16xi32>], vector<16xi32>,
        %gather3A_261 = tpu.vector_load_idx %arg11[%add3A_89, %and3A_259] : memref<80x64xi32, #tpu.memory_space<vmem>>[vector<16xi32>, vector<16xi32>], vector<16xi32>,
        %bitcast3A_262 = vector.bitcast %gather3A_260 : vector<16xi32> to vector<32xbf16>
        %bitcast3A_263 = vector.bitcast %gather3A_261 : vector<16xi32> to vector<32xbf16>
        %mul3A_264 = arith.mulf %bitcast3A_262, %bitcast3A_263 : vector<32xbf16>
        %unpack3A_265 = tpu.unpack_subelements %mul3A_264, 0 {pack_format = #tpu.pack_format<interleaved>} : vector<32xbf16> -> vector<16xf32>
        %unpack3A_266 = tpu.unpack_subelements %mul3A_264, 1 {pack_format = #tpu.pack_format<interleaved>} : vector<32xbf16> -> vector<16xf32>
        %add3A_267 = arith.addf %unpack3A_265, %unpack3A_266 : vector<16xf32>
        %add3A_268 = arith.constant 11 : i32
        %add3A_269 = vector.broadcast %add3A_268 : i32 to vector<16xi32>
        %add3A_270 = arith.addi %add3A_117, %add3A_269 : vector<16xi32>
        %and3A_271 = arith.constant 63 : i32
        %and3A_272 = vector.broadcast %and3A_271 : i32 to vector<16xi32>
        %and3A_273 = arith.andi %add3A_270, %and3A_272 : vector<16xi32>
        %gather3A_274 = tpu.vector_load_idx %arg13[%add3A_89, %and3A_273] : memref<80x64xi32, #tpu.memory_space<vmem>>[vector<16xi32>, vector<16xi32>], vector<16xi32>,
        %gather3A_275 = tpu.vector_load_idx %arg11[%add3A_89, %and3A_273] : memref<80x64xi32, #tpu.memory_space<vmem>>[vector<16xi32>, vector<16xi32>], vector<16xi32>,
        %bitcast3A_276 = vector.bitcast %gather3A_274 : vector<16xi32> to vector<32xbf16>
        %bitcast3A_277 = vector.bitcast %gather3A_275 : vector<16xi32> to vector<32xbf16>
        %mul3A_278 = arith.mulf %bitcast3A_276, %bitcast3A_277 : vector<32xbf16>
        %unpack3A_279 = tpu.unpack_subelements %mul3A_278, 0 {pack_format = #tpu.pack_format<interleaved>} : vector<32xbf16> -> vector<16xf32>
        %unpack3A_280 = tpu.unpack_subelements %mul3A_278, 1 {pack_format = #tpu.pack_format<interleaved>} : vector<32xbf16> -> vector<16xf32>
        %add3A_281 = arith.addf %unpack3A_279, %unpack3A_280 : vector<16xf32>
        %add3A_282 = arith.constant 12 : i32
        %add3A_283 = vector.broadcast %add3A_282 : i32 to vector<16xi32>
        %add3A_284 = arith.addi %add3A_117, %add3A_283 : vector<16xi32>
        %and3A_285 = arith.constant 63 : i32
        %and3A_286 = vector.broadcast %and3A_285 : i32 to vector<16xi32>
        %and3A_287 = arith.andi %add3A_284, %and3A_286 : vector<16xi32>
        %gather3A_288 = tpu.vector_load_idx %arg13[%add3A_89, %and3A_287] : memref<80x64xi32, #tpu.memory_space<vmem>>[vector<16xi32>, vector<16xi32>], vector<16xi32>,
        %gather3A_289 = tpu.vector_load_idx %arg11[%add3A_89, %and3A_287] : memref<80x64xi32, #tpu.memory_space<vmem>>[vector<16xi32>, vector<16xi32>], vector<16xi32>,
        %bitcast3A_290 = vector.bitcast %gather3A_288 : vector<16xi32> to vector<32xbf16>
        %bitcast3A_291 = vector.bitcast %gather3A_289 : vector<16xi32> to vector<32xbf16>
        %mul3A_292 = arith.mulf %bitcast3A_290, %bitcast3A_291 : vector<32xbf16>
        %unpack3A_293 = tpu.unpack_subelements %mul3A_292, 0 {pack_format = #tpu.pack_format<interleaved>} : vector<32xbf16> -> vector<16xf32>
        %unpack3A_294 = tpu.unpack_subelements %mul3A_292, 1 {pack_format = #tpu.pack_format<interleaved>} : vector<32xbf16> -> vector<16xf32>
        %add3A_295 = arith.addf %unpack3A_293, %unpack3A_294 : vector<16xf32>
        %add3A_296 = arith.constant 13 : i32
        %add3A_297 = vector.broadcast %add3A_296 : i32 to vector<16xi32>
        %add3A_298 = arith.addi %add3A_117, %add3A_297 : vector<16xi32>
        %and3A_299 = arith.constant 63 : i32
        %and3A_300 = vector.broadcast %and3A_299 : i32 to vector<16xi32>
        %and3A_301 = arith.andi %add3A_298, %and3A_300 : vector<16xi32>
        %gather3A_302 = tpu.vector_load_idx %arg13[%add3A_89, %and3A_301] : memref<80x64xi32, #tpu.memory_space<vmem>>[vector<16xi32>, vector<16xi32>], vector<16xi32>,
        %gather3A_303 = tpu.vector_load_idx %arg11[%add3A_89, %and3A_301] : memref<80x64xi32, #tpu.memory_space<vmem>>[vector<16xi32>, vector<16xi32>], vector<16xi32>,
        %bitcast3A_304 = vector.bitcast %gather3A_302 : vector<16xi32> to vector<32xbf16>
        %bitcast3A_305 = vector.bitcast %gather3A_303 : vector<16xi32> to vector<32xbf16>
        %mul3A_306 = arith.mulf %bitcast3A_304, %bitcast3A_305 : vector<32xbf16>
        %unpack3A_307 = tpu.unpack_subelements %mul3A_306, 0 {pack_format = #tpu.pack_format<interleaved>} : vector<32xbf16> -> vector<16xf32>
        %unpack3A_308 = tpu.unpack_subelements %mul3A_306, 1 {pack_format = #tpu.pack_format<interleaved>} : vector<32xbf16> -> vector<16xf32>
        %add3A_309 = arith.addf %unpack3A_307, %unpack3A_308 : vector<16xf32>
        %add3A_310 = arith.constant 14 : i32
        %add3A_311 = vector.broadcast %add3A_310 : i32 to vector<16xi32>
        %add3A_312 = arith.addi %add3A_117, %add3A_311 : vector<16xi32>
        %and3A_313 = arith.constant 63 : i32
        %and3A_314 = vector.broadcast %and3A_313 : i32 to vector<16xi32>
        %and3A_315 = arith.andi %add3A_312, %and3A_314 : vector<16xi32>
        %gather3A_316 = tpu.vector_load_idx %arg13[%add3A_89, %and3A_315] : memref<80x64xi32, #tpu.memory_space<vmem>>[vector<16xi32>, vector<16xi32>], vector<16xi32>,
        %gather3A_317 = tpu.vector_load_idx %arg11[%add3A_89, %and3A_315] : memref<80x64xi32, #tpu.memory_space<vmem>>[vector<16xi32>, vector<16xi32>], vector<16xi32>,
        %bitcast3A_318 = vector.bitcast %gather3A_316 : vector<16xi32> to vector<32xbf16>
        %bitcast3A_319 = vector.bitcast %gather3A_317 : vector<16xi32> to vector<32xbf16>
        %mul3A_320 = arith.mulf %bitcast3A_318, %bitcast3A_319 : vector<32xbf16>
        %unpack3A_321 = tpu.unpack_subelements %mul3A_320, 0 {pack_format = #tpu.pack_format<interleaved>} : vector<32xbf16> -> vector<16xf32>
        %unpack3A_322 = tpu.unpack_subelements %mul3A_320, 1 {pack_format = #tpu.pack_format<interleaved>} : vector<32xbf16> -> vector<16xf32>
        %add3A_323 = arith.addf %unpack3A_321, %unpack3A_322 : vector<16xf32>
        %add3A_324 = arith.constant 15 : i32
        %add3A_325 = vector.broadcast %add3A_324 : i32 to vector<16xi32>
        %add3A_326 = arith.addi %add3A_117, %add3A_325 : vector<16xi32>
        %and3A_327 = arith.constant 63 : i32
        %and3A_328 = vector.broadcast %and3A_327 : i32 to vector<16xi32>
        %and3A_329 = arith.andi %add3A_326, %and3A_328 : vector<16xi32>
        %gather3A_330 = tpu.vector_load_idx %arg13[%add3A_89, %and3A_329] : memref<80x64xi32, #tpu.memory_space<vmem>>[vector<16xi32>, vector<16xi32>], vector<16xi32>,
        %gather3A_331 = tpu.vector_load_idx %arg11[%add3A_89, %and3A_329] : memref<80x64xi32, #tpu.memory_space<vmem>>[vector<16xi32>, vector<16xi32>], vector<16xi32>,
        %bitcast3A_332 = vector.bitcast %gather3A_330 : vector<16xi32> to vector<32xbf16>
        %bitcast3A_333 = vector.bitcast %gather3A_331 : vector<16xi32> to vector<32xbf16>
        %mul3A_334 = arith.mulf %bitcast3A_332, %bitcast3A_333 : vector<32xbf16>
        %unpack3A_335 = tpu.unpack_subelements %mul3A_334, 0 {pack_format = #tpu.pack_format<interleaved>} : vector<32xbf16> -> vector<16xf32>
        %unpack3A_336 = tpu.unpack_subelements %mul3A_334, 1 {pack_format = #tpu.pack_format<interleaved>} : vector<32xbf16> -> vector<16xf32>
        %add3A_337 = arith.addf %unpack3A_335, %unpack3A_336 : vector<16xf32>
        %add3A_338 = arith.addf %scan3A_110, %add3A_127 : vector<16xf32>
        %add3A_339 = arith.addf %scan3A_111, %add3A_141 : vector<16xf32>
        %add3A_340 = arith.addf %scan3A_112, %add3A_155 : vector<16xf32>
        %add3A_341 = arith.addf %scan3A_113, %add3A_169 : vector<16xf32>
        %add3A_342 = arith.addf %add3A_338, %add3A_183 : vector<16xf32>
        %add3A_343 = arith.addf %add3A_339, %add3A_197 : vector<16xf32>
        %add3A_344 = arith.addf %add3A_340, %add3A_211 : vector<16xf32>
        %add3A_345 = arith.addf %add3A_341, %add3A_225 : vector<16xf32>
        %add3A_346 = arith.addf %add3A_342, %add3A_239 : vector<16xf32>
        %add3A_347 = arith.addf %add3A_343, %add3A_253 : vector<16xf32>
        %add3A_348 = arith.addf %add3A_344, %add3A_267 : vector<16xf32>
        %add3A_349 = arith.addf %add3A_345, %add3A_281 : vector<16xf32>
        %add3A_350 = arith.addf %add3A_346, %add3A_295 : vector<16xf32>
        %add3A_351 = arith.addf %add3A_347, %add3A_309 : vector<16xf32>
        %add3A_352 = arith.addf %add3A_348, %add3A_323 : vector<16xf32>
        %add3A_353 = arith.addf %add3A_349, %add3A_337 : vector<16xf32>
        scf.yield %add3A_350, %add3A_351, %add3A_352, %add3A_353 : vector<16xf32>, vector<16xf32>, vector<16xf32>, vector<16xf32>
      }
      %scan3A_95 = arith.constant 4 : i32
      %add3A_96 = arith.addf %scan3A_94#0, %scan3A_94#1 : vector<16xf32>
      %add3A_97 = arith.addf %scan3A_94#2, %scan3A_94#3 : vector<16xf32>
      %add3A_98 = arith.addf %add3A_96, %add3A_97 : vector<16xf32>
      %neg3A = arith.constant 0.000000e+00 : f32
      %neg3A_99 = vector.broadcast %neg3A : f32 to vector<16xf32>
      %neg3A_100 = arith.subf %neg3A_99, %add3A_98 : vector<16xf32>
      %exp3A = math.exp %neg3A_100 : vector<16xf32>
      %add3A_101 = arith.constant 1.000000e+00 : f32
      %add3A_102 = vector.broadcast %add3A_101 : f32 to vector<16xf32>
      %add3A_103 = arith.addf %add3A_102, %exp3A : vector<16xf32>
      %div3A = arith.constant 1.000000e+00 : f32
      %div3A_104 = vector.broadcast %div3A : f32 to vector<16xf32>
      %div3A_105 = arith.divf %div3A_104, %add3A_103 : vector<16xf32>
      %mul3A_106 = arith.constant 16 : i32
      %mul3A_107 = arith.muli %scan3A_85, %mul3A_106 : i32
      %swap3A = arith.index_cast %mul3A_107 : i32 to index
      %swap3A_108 = tpu.vector_load %arg9[%swap3A] {strides = array<i32>} : memref<80xf32, #tpu.memory_space<vmem>>, vector<16xf32>,
      tpu.vector_store %arg9[%swap3A], %div3A_105 {strides = array<i32>} : memref<80xf32, #tpu.memory_space<vmem>>, vector<16xf32>,
    }
    %scan3A_63 = arith.constant 5 : i32
    %dma_start3A_64 = arith.constant 124 : i32
    %dma_start3A_65 = arith.constant 0 : i32
    %dma_start3A_66 = tpu.memref_slice %arg5[%add3A, %dma_start3A_64, %dma_start3A_65] : memref<32x125x80xf32, #tpu.memory_space<hbm>> -> memref<1x1x80xf32, #tpu.memory_space<hbm>>
    %dma_start3A_67 = tpu.memref_squeeze %dma_start3A_66 : memref<1x1x80xf32, #tpu.memory_space<hbm>> -> memref<80xf32, #tpu.memory_space<hbm>>
    %dma_start3A_68 = arith.constant 0 : i32
    %dma_start3A_69 = tpu.memref_slice %arg5[%add3A, %dma_start3A_64, %dma_start3A_68] : memref<32x125x80xf32, #tpu.memory_space<hbm>> -> memref<1x1x80xf32, #tpu.memory_space<hbm>>
    %dma_start3A_70 = tpu.memref_squeeze %dma_start3A_69 : memref<1x1x80xf32, #tpu.memory_space<hbm>> -> memref<80xf32, #tpu.memory_space<hbm>>
    tpu.enqueue_dma source(%arg9 : memref<80xf32, #tpu.memory_space<vmem>>) target(%dma_start3A_70 : memref<80xf32, #tpu.memory_space<hbm>>) target_semaphore(%arg7 : memref<!tpu.dma_semaphore, #tpu.memory_space<semaphore_mem>>)
    %dma_wait3A_71 = arith.constant 0 : i32
    %dma_wait3A_72 = arith.constant 0 : i32
    %dma_wait3A_73 = tpu.memref_slice %arg5[%add3A, %dma_wait3A_71, %dma_wait3A_72] : memref<32x125x80xf32, #tpu.memory_space<hbm>> -> memref<1x1x80xf32, #tpu.memory_space<hbm>>
    %dma_wait3A_74 = tpu.memref_squeeze %dma_wait3A_73 : memref<1x1x80xf32, #tpu.memory_space<hbm>> -> memref<80xf32, #tpu.memory_space<hbm>>
    %dma_wait3A_75 = arith.constant 0 : i32
    %dma_wait3A_76 = tpu.memref_slice %arg5[%add3A, %dma_wait3A_71, %dma_wait3A_75] : memref<32x125x80xf32, #tpu.memory_space<hbm>> -> memref<1x1x80xf32, #tpu.memory_space<hbm>>
    %dma_wait3A_77 = tpu.memref_squeeze %dma_wait3A_76 : memref<1x1x80xf32, #tpu.memory_space<hbm>> -> memref<80xf32, #tpu.memory_space<hbm>>
    tpu.wait_dma2 semaphore(%arg7 : memref<!tpu.dma_semaphore, #tpu.memory_space<semaphore_mem>>) src(%arg9 : memref<80xf32, #tpu.memory_space<vmem>>) dst(%dma_wait3A_77 : memref<80xf32, #tpu.memory_space<hbm>>)
    %dma_wait3A_78 = arith.constant 0 : i32
    %dma_wait3A_79 = arith.constant 0 : i32
    %dma_wait3A_80 = tpu.memref_slice %arg5[%add3A, %dma_wait3A_78, %dma_wait3A_79] : memref<32x125x80xf32, #tpu.memory_space<hbm>> -> memref<1x1x80xf32, #tpu.memory_space<hbm>>
    %dma_wait3A_81 = tpu.memref_squeeze %dma_wait3A_80 : memref<1x1x80xf32, #tpu.memory_space<hbm>> -> memref<80xf32, #tpu.memory_space<hbm>>
    %dma_wait3A_82 = arith.constant 0 : i32
    %dma_wait3A_83 = tpu.memref_slice %arg5[%add3A, %dma_wait3A_78, %dma_wait3A_82] : memref<32x125x80xf32, #tpu.memory_space<hbm>> -> memref<1x1x80xf32, #tpu.memory_space<hbm>>
    %dma_wait3A_84 = tpu.memref_squeeze %dma_wait3A_83 : memref<1x1x80xf32, #tpu.memory_space<hbm>> -> memref<80xf32, #tpu.memory_space<hbm>>
    tpu.wait_dma2 semaphore(%arg8 : memref<!tpu.dma_semaphore, #tpu.memory_space<semaphore_mem>>) src(%arg10 : memref<80xf32, #tpu.memory_space<vmem>>) dst(%dma_wait3A_84 : memref<80xf32, #tpu.memory_space<hbm>>)
    return
  }
}

</mosaic_0001>

<sc_bundles>
// kernel: _decode.3.cloned.1.call-start
scs
__scs_entry_jumppad:
0x0: {  	(pc) =	sbr.rel $0x88, $3  }
0x1: {  	(tag) =	ssettag $0x0;
	lr =	simm.s32 $0x1  }
0x2: {  	[smem:$0x3F9E] =	sst lr;
	_ =	strace $0xD0000000  }
0x3: {  	_ = 	snop  }
0x4: {  	_ = 	snop  }
0x5: {  	_ = 	snop  }
0x6: {  	_ = 	snop  }
0x7: {  	_ = 	snop  }
__scs_overlays_trampoline_lowered:
0x8: {  	[smem:$0x3FAD] =	sst s0  }
0x9: {  	[smem:$0x3FAE] =	sst s1  }
0xa: {  	[smem:$0x3FAF] =	sst s2  }
0xb: {  	[smem:$0x3FB0] =	sst s3  }
0xc: {  	[smem:$0x3FB1] =	sst s4  }
0xd: {  	[smem:$0x3FB2] =	sst s5  }
0xe: {  	[smem:$0x3FB3] =	sst s6  }
0xf: {  	[smem:$0x3FB4] =	sst s7  }
0x10: {  	[smem:$0x3FB5] =	sst s8  }
0x11: {  	[smem:$0x3FB6] =	sst s9;
	s0 =	simm.s32 @!p0 $0x0  }
0x12: {  	s1 =	sld [smem:$0x3F9C];
	s0 =	simm.s32 @p0 $0x1  }
0x13: {  	[smem:$0x3FB7] =	sst s0;
	s0 =	simm.s32 @!p1 $0x0  }
0x14: {  	s2 =	sld [smem:$0x3F9B];
	s0 =	simm.s32 @p1 $0x1  }
0x15: {  	[smem:$0x3FB8] =	sst s0;
	s0 =	simm.s32 @!p2 $0x0  }
0x16: {  	s3 =	sld [smem:$0x3FDB];
	s0 =	simm.s32 @p2 $0x1  }
0x17: {  	s4 =	simm.s32 $0x1BF5;
	[smem:$0x3FBA] =	sst s0  }
0x18: {  	s0 =	sld [smem:$0x3F9D];
	_ =	swait.ge [sflag:s4], $0x0  }
0x19: {  	s7 =	sld [smem:$0x3F9E]  }
0x1a: {  	s8 =	sadd.s32 $0xFFFFE003, lr  }
0x1b: {  	s9 =	sadd.s32 $0xFFFFFEF7, lr;
	s5 =	simm.s32 $0xFFFFFFFF;
	p2 =	slt.u32 s8, $0xFFFFF086  }
0x1c: {  	p1 =	slt.u32 s9, $0xF7A;
	s5 =	simm.s32 @!p2 $0x0  }
0x1d: {  	s5 =	simm.s32 @p1 $0x1;
	p0 =	seq.s32 s7, s2  }
0x1e: {  	s7 =	smul.u32 @!p0 $0xF7A, s2;
	p2 =	seq.s32 @!p0 s5, $0x0  }
0x1f: {  	s9 =	smul.u32 $0xF7A, s1;
	s8 =	simm.s32 @!p0 $0x1BF5;
	p2 =	por !p2, p0  }
0x20: {  	[sflag:s8] =	ssyncset.s32 @!p0 $0xFFFFF086;
	s6 =	sadd.s32 @!p0 s3, s7;
	s7 =	simm.s32 @!p0 $0x108  }
0x21: {  	s3 =	sadd.s32 s3, s9;
	s6 =	sadd.s32 @!p0 $0x88, s6;
	s7 =	simm.s32 @p2 $0x1082  }
0x22: {  	[simem:s7], [sflag:s8] =	dma.local @!p0 [hbm:s6], $0xF7A  }
0x23: {  	s9 =	sor.u32 $0xD0000000, s2;
	s6 =	simm.s32 $0x108;
	_ =	swait.ge @!p0 [sflag:s8], $0x0  }
0x24: {  	s3 =	sadd.s32 $0x88, s3;
	s6 =	simm.s32 @!p1 $0x1082;
	[sflag:s4] =	ssyncset.s32 $0xFFFFF086  }
0x25: {  	[simem:s6], [sflag:s4] =	dma.local [hbm:s3], $0xF7A  }
0x26: {  	[smem:$0x3F9E] =	sst s1;
	(tag) =	ssettag s2;
	_ =	strace s9  }
0x27: {  	s1 =	sld [smem:$0x3FAE]  }
0x28: {  	s2 =	sld [smem:$0x3FAF]  }
0x29: {  	s4 =	sld [smem:$0x3FB1]  }
0x2a: {  	p0 =	seq.s32 s5, $0x0;
	s5 =	sld [smem:$0x3FB2]  }
0x2b: {  	s6 =	sld [smem:$0x3FB3]  }
0x2c: {  	s7 =	sld [smem:$0x3FB4]  }
0x2d: {  	s3 =	simm.s32 $0x108;
	s8 =	sld [smem:$0x3FB5]  }
0x2e: {  	s3 =	simm.s32 @!p0 $0x1082;
	s9 =	sld [smem:$0x3FB6]  }
0x2f: {  	lr =	sadd.s32 s0, s3;
	s0 =	sld [smem:$0x3FAD]  }
0x30: {  	s3 =	sld [smem:$0x3FB0]  }
0x31: {  	[smem:$0x3FB9] =	sst s10  }
0x32: {  	s10 =	sld [smem:$0x3FB7];
	_ =	sdelay $0x3  }
0x33: {  	p0 =	seq.s32 s10, $0x1;
	s10 =	sld [smem:$0x3FB9];
	_ =	sdelay $0x3  }
0x34: {  	[smem:$0x3FB9] =	sst s10  }
0x35: {  	s10 =	sld [smem:$0x3FB8];
	_ =	sdelay $0x3  }
0x36: {  	p1 =	seq.s32 s10, $0x1;
	s10 =	sld [smem:$0x3FB9];
	_ =	sdelay $0x3  }
0x37: {  	[smem:$0x3FB9] =	sst s10  }
0x38: {  	s10 =	sld [smem:$0x3FBA]  }
0x39: {  	_ = 	snop;
	(pc) =	sbr.ind lr, $3  }
0x3a: {  	_ = 	snop  }
0x3b: {  	_ = 	snop  }
0x3c: {  	p2 =	seq.s32 s10, $0x1;
	s10 =	sld [smem:$0x3FB9]  }
0x3d: {  	_ =	shalt  }
0x3e: {  	_ =	shalt  }
0x3f: {  	_ =	shalt  }
0x40: {  	_ =	shalt  }
0x41: {  	_ =	shalt  }
0x42: {  	_ =	shalt  }
0x43: {  	_ =	shalt  }
0x44: {  	_ =	shalt  }
0x45: {  	_ =	shalt  }
0x46: {  	_ =	shalt  }
0x47: {  	_ =	shalt  }
0x48: {  	_ =	shalt  }
0x49: {  	_ =	shalt  }
0x4a: {  	_ =	shalt  }
0x4b: {  	_ =	shalt  }
0x4c: {  	_ =	shalt  }
0x4d: {  	_ =	shalt  }
0x4e: {  	_ =	shalt  }
0x4f: {  	_ =	shalt  }
0x50: {  	_ =	shalt  }
0x51: {  	_ =	shalt  }
0x52: {  	_ =	shalt  }
0x53: {  	_ =	shalt  }
0x54: {  	_ =	shalt  }
0x55: {  	_ =	shalt  }
0x56: {  	_ =	shalt  }
0x57: {  	_ =	shalt  }
0x58: {  	_ =	shalt  }
0x59: {  	_ =	shalt  }
0x5a: {  	_ =	shalt  }
0x5b: {  	_ =	shalt  }
0x5c: {  	_ =	shalt  }
0x5d: {  	_ =	shalt  }
0x5e: {  	_ =	shalt  }
0x5f: {  	_ =	shalt  }
0x60: {  	_ =	shalt  }
0x61: {  	_ =	shalt  }
0x62: {  	_ =	shalt  }
0x63: {  	_ =	shalt  }
0x64: {  	_ =	shalt  }
0x65: {  	_ =	shalt  }
0x66: {  	_ =	shalt  }
0x67: {  	_ =	shalt  }
0x68: {  	_ =	shalt  }
0x69: {  	_ =	shalt  }
0x6a: {  	_ =	shalt  }
0x6b: {  	_ =	shalt  }
0x6c: {  	_ =	shalt  }
0x6d: {  	_ =	shalt  }
0x6e: {  	_ =	shalt  }
0x6f: {  	_ =	shalt  }
0x70: {  	_ =	shalt  }
0x71: {  	_ =	shalt  }
0x72: {  	_ =	shalt  }
0x73: {  	_ =	shalt  }
0x74: {  	_ =	shalt  }
0x75: {  	_ =	shalt  }
0x76: {  	_ =	shalt  }
0x77: {  	_ =	shalt  }
0x78: {  	_ =	shalt  }
0x79: {  	_ =	shalt  }
0x7a: {  	_ =	shalt  }
0x7b: {  	_ =	shalt  }
0x7c: {  	_ =	shalt  }
0x7d: {  	_ =	shalt  }
0x7e: {  	_ =	shalt  }
0x7f: {  	_ =	shalt  }
0x80: {  	_ =	shalt  }
0x81: {  	_ =	shalt  }
0x82: {  	_ =	shalt  }
0x83: {  	_ =	shalt  }
0x84: {  	_ =	shalt  }
0x85: {  	_ =	shalt  }
0x86: {  	_ =	shalt  }
0x87: {  	_ =	shalt  }
.Lfunc_end0:
.L_simem_size_0:
called_computation_lowered:
.L_overlay_start_0:
0x88: {  	s2 =	sld [smem:$0x3FD9]  }
0x89: {  	s3 =	sld [smem:$0x3FFE];
	_ =	sdelay $0x1  }
0x8a: {  	s1 =	srdreg.scid  }
0x8b: {  	s0 =	sand.u32 $0x1, s1  }
0x8c: {  	s17 =	sshll.u32 s0, $0xA;
	s2 =	sadd.s32 s3, s2  }
0x8d: {  	s2 =	sadd.s32 s2, s17  }
0x8e: {  	[smem:$0x3FC5] =	sst s2  }
0x8f: {  	_ = 	snop  }
0x90: {  	s2 =	sld [smem:$0x3FD0];
	(tm) =	ssettm $0x1  }
0x91: {  	s18 =	sld [smem:$0x3FFB];
	_ =	sdelay $0x3  }
0x92: {  	_ =	strace s18  }
0x93: {  	s3 =	sld [smem:$0x3FFC];
	_ =	sdelay $0x3  }
0x94: {  	_ =	strace s3  }
0x95: {  	s3 =	sld [smem:$0x3FFD];
	_ =	sdelay $0x3  }
0x96: {  	_ =	strace s3  }
0x97: {  	_ =	strace $0x8FFFFFFF  }
0x98: {  	s19 =	sld [smem:$0x3FDB];
	_ =	sdelay $0x1  }
0x99: {  	s4 =	simm.s32 $_scs_section_size  }
0x9a: {  	s5 =	simm.s32 $_size__tile_overlayer_lowered;
	s6 =	simm.s32 $_tile_overlayer_lowered  }
0x9b: {  	s22 =	simm.s32 $0x1BFF;
	s21 =	sshll.u32 s6, $0x1;
	s3 =	sadd.s32 s4, s19  }
0x9c: {  	s7 =	simm.s32 $0x0;
	s20 =	sshll.u32 s5, $0x1;
	s5 =	sadd.s32 s21, s3  }
0x9d: {  	[timem:s7], [sflag:s22] =	dma.local [hbm:s5], s20  }
0x9e: {  	_ =	swait.ge [sflag:s22], s20  }
0x9f: {  	s4 =	ssub.s32 $0x0, s20;
	[sflag:s22] =	ssyncset.done $0x0  }
0xa0: {  	[sflag:s22] =	ssyncadd.s32 s4;
	_ =	sdelay $0x1  }
0xa1: {  	s23 =	simm.s32 $0x1B8B  }
0xa2: {  	_ =	swait.ge [sflag:s23], $0x1  }
0xa3: {  	[sflag:s23] =	ssyncset.done $0x0  }
0xa4: {  	s25 =	simm.s32 $0x1B8E;
	s24 =	sld [smem:$0x3FFE];
	[sflag:s23] =	ssyncadd.s32 $0xFFFFFFFF  }
0xa5: {  	s26 =	simm.s32 $execute0_lowered;
	[smem:$0x3FD2] =	sst s25  }
0xa6: {  	s5 =	sshll.u32 s26, $0x1;
	_ =	strace $0x80000046;
	[dreg:$0x1] =	wrdreg $0xFFFFFFFF  }
0xa7: {  	s28 =	simm.s32 $_size_execute0_lowered;
	s3 =	sadd.s32 s3, s5;
	[dreg:$0x0] =	wrdreg $0x0  }
0xa8: {  	s5 =	sshll.u32 s28, $0x1;
	[dreg:$0x2] =	wrdreg s3  }
0xa9: {  	[dreg:$0x3] =	wrdreg s5  }
0xaa: {  	[dreg:$0x4] =	wrdreg $0xC0  }
0xab: {  	_ =	task [dreg:s7], $0x5FFFF  }
0xac: {  	[dreg:$0x1] =	wrdreg $0xFFFFFFFF  }
0xad: {  	[dreg:$0x0] =	wrdreg $0x60  }
0xae: {  	[dreg:$0x2] =	wrdreg s24  }
0xaf: {  	[dreg:$0x3] =	wrdreg s2  }
0xb0: {  	[dreg:$0x4] =	wrdreg $0x9EC00  }
0xb1: {  	[dreg:$0x5] =	wrdreg $0x9  }
0xb2: {  	_ =	task.clear_ibuf [dreg:s7], $0x6FFFF;
	_ =	strace $0x90000046  }
0xb3: {  	s29 =	simm.s32 $0x9;
	_ =	strace $0x80000048  }
0xb4: {  	_ =	swait.ge [sflag:s29], $0x1  }
0xb5: {  	[sflag:s29] =	ssyncadd.s32 $0xFFFFFFFF  }
0xb6: {  	_ =	strace $0x90000048  }
0xb7: {  	_ =	sfence  }
0xb8: {  	s30 =	sld [smem:$0x0];
	_ =	sdelay $0x2  }
0xb9: {  	s31 =	sshll.u32 s1, $0xD;
	s1 =	sshrl.u32 s1, $0x2  }
0xba: {  	s3 =	sand.u32 $0x4000, s31;
	s1 =	sadd.s32 s1, s30  }
0xbb: {  	s0 =	sor.u32 s3, s0;
	s1 =	sshll.u32 s1, $0x11  }
0xbc: {  	s0 =	sor.u32 s1, s0  }
0xbd: {  	s0 =	sadd.s32 $0x8F2B, s0  }
0xbe: {  	[sflag:s0] =	ssyncadd.remote.s32 $0x1  }
0xbf: {  	_ =	sfence.sel $0xFFFF  }
0xc0: {  	[dreg:$0x0] =	wrdreg $0xFFFFFFFF;
	(pc) =	sbr.abs _section_cstart, $3  }
0xc1: {  	[dreg:$0x1] =	wrdreg $0xFFFFFFFF  }
0xc2: {  	_ =	task.clear_ibuf [dreg:s7], $0x2FFFF;
	_ =	strace $0x9FFFFFFF  }
0xc3: {  	(tm) =	ssettm $0x7FFFFFFF  }
tec
execute0_lowered:
.L_overlay_start_1:
0x0: {  	(tag) =	ssettag $0x1  }
0x1: {  	s0 =	rddreg [dreg:$0x0]  }
0x2: {  	s1 =	rddreg [dreg:$0x1]  }
0x3: {  	s2 =	rddreg [dreg:$0x2]  }
0x4: {  	s10 =	stileid.u32;
	s3 =	srdreg.scid;
	v0 =	vimm.s32 $0x7654321  }
0x5: {  	v3 =	vimm.s32 $0x10765432;
	v4 =	vimm.s32 $0x21076543;
	s14 =	simm.s32 $0x5;
	s16 =	simm.s32 $0x50;
	s17 =	simm.s32 $0x4FB0  }
0x6: {  	v5 =	vimm.s32 $0x32107654;
	s18 =	simm.s32 $0x27B0;
	s20 =	simm.s32 $0x63B0;
	s21 =	simm.s32 $0x3BB0  }
0x7: {  	v6 =	vimm.s32 $0x43210765;
	v7 =	vimm.s32 $0x54321076;
	s22 =	simm.s32 $0x3;
	s23 =	simm.s32 $0x2710;
	s24 =	simm.s32 $0x4  }
0x8: {  	v8 =	vimm.s32 $0x65432107;
	s28 =	simm.s32 $0x2;
	s29 =	simm.s32 $0x0;
	s5 =	sand.u32 $0x1, s3;
	v2 =	vunpack.c.l.s4.s8 v0;
	v0 =	vlaneseq.u32  }
0x9: {  	s4 =	sshll.u32 s10, $0x1;
	s3 =	simm.s32 $0x0;
	s6 =	smul.u32 $0x9C40, s10;
	v3 =	vunpack.c.l.s4.s8 v3;
	v4 =	vunpack.c.l.s4.s8 v4;
	v5 =	vunpack.c.l.s4.s8 v5  }
0xa: {  	s26 =	sshll.u32 s10, $0x6;
	v6 =	vunpack.c.l.s4.s8 v6;
	v7 =	vunpack.c.l.s4.s8 v7;
	v8 =	vunpack.c.l.s4.s8 v8;
	s4 =	sor.u32 s5, s4;
	[smem:$0x7FF] =	sst s3  }
0xb: {  	v1 =	vmul.u32 $0x40, v0;
	s8 =	ssub.s32 $0x2, s5;
	s5 =	sadd.s32 $0x1E000, s0;
	s30 =	sor.u32 $0x1C05, s26;
	v9 =	vand.u32 $0x7, v0;
	v10 =	vadd.s32 $0x1, v0  }
0xc: {  	v11 =	vadd.s32 $0x2, v0;
	v12 =	vadd.s32 $0x3, v0;
	v13 =	vadd.s32 $0x4, v0;
	s26 =	simm.s32 $0x1;
	s4 =	smul.u32 $0x2710, s4;
	_ =	strace $0x80000047  }
0xd: {  	v14 =	vadd.s32 $0x5, v0;
	v15 =	vadd.s32 $0x6, v0;
	v16 =	vadd.s32 $0x7, v0;
	s7 =	sshrl.u32 s6, $0x3;
	s25 =	sshrl.u32 s8, $0x1;
	s6 =	sadd.s32 s6, s2  }
0xe: {  	v17 =	vadd.s32 $0x8, v0;
	v18 =	vadd.s32 $0x9, v0;
	v19 =	vadd.s32 $0xA, v0;
	[dreg:$0x5] =	wrdreg s30;
	s7 =	sadd.s32 s7, s0;
	s13 =	sshrl.u32 s6, $0x3  }
0xf: {  	v20 =	vadd.s32 $0xB, v0;
	v21 =	vadd.s32 $0xC, v0;
	v22 =	vadd.s32 $0xD, v0;
	s11 =	sshrl.u32 s4, $0x3;
	s7 =	sadd.s32 $0x800, s7;
	s10 =	sadd.s32 $0x50, s4  }
0x10: {  	v23 =	vadd.s32 $0xE, v0;
	v24 =	vadd.s32 $0xF, v0;
	v2 =	vunpack.c.0.s8.s32 v2;
	s9 =	sadd.s32 s11, s0;
	s0 =	ssub.s32 s8, s25;
	[dreg:$0x4] =	wrdreg s7  }
0x11: {  	v3 =	vunpack.c.0.s8.s32 v3;
	v4 =	vunpack.c.0.s8.s32 v4;
	v5 =	vunpack.c.0.s8.s32 v5;
	s8 =	sadd.s32 s1, s11;
	s31 =	sadd.s32 s5, s11;
	s25 =	simm.s32 $0x2760  }
0x12: {  	v6 =	vunpack.c.0.s8.s32 v6;
	v7 =	vunpack.c.0.s8.s32 v7;
	v8 =	vunpack.c.0.s8.s32 v8;
	s9 =	sadd.s32 $0x14200, s9;
	s11 =	sadd.s32 $0x4D8, s31;
	s12 =	smax.u32 s0, $0x1  }
.LBB2_1:
0x13: {  	s0 =	rddreg [dreg:$0x4]  }
0x14: {  	s1 =	rddreg [dreg:$0x5]  }
0x15: {  	[spmem:s13], [sflag:s1] =	dma.local [hbm:s0], $0x1388  }
0x16: {  	_ =	swait.ge [sflag:s14], $0x1388  }
0x17: {  	[sflag:s14] =	ssyncset.done $0x0  }
0x18: {  	s19 =	simm.s32 $0x77B0;
	[sflag:s14] =	ssyncadd.s32 $0xFFFFEC78  }
0x19: {  	[tilespmem:s19], [sflag:$0x5] =	stream.linear.gather [hbm4b:s8+s3], $0x2710, $0x38;
	[tilespmem:$0x13B00] =	vst v63  }
0x1a: {  	_ =	swait.ge [sflag:s14], $0x2710  }
0x1b: {  	[sflag:s14] =	ssyncset.done $0x0  }
0x1c: {  	[sflag:s14] =	ssyncadd.s32 $0xFFFFD8F0  }
0x1d: {  	[tilespmem:s3], [sflag:$0x5] =	stream.linear.gather [hbm4b:s9+s3], $0x2710, $0x38;
	[tilespmem:$0x13B00] =	vst v63  }
0x1e: {  	_ =	swait.ge [sflag:s14], $0x2710  }
0x1f: {  	[sflag:s14] =	ssyncset.done $0x0  }
0x20: {  	[sflag:s14] =	ssyncadd.s32 $0xFFFFD8F0  }
0x21: {  	[bflag:$0x0] =	sbarrier.arrive $0xFFFF  }
0x22: {  	[tilespmem:s17], [sflag:$0x3] =	stream.indirect.gather [spmem:s2], $0x40, s19, s16, $0xb8;
	[tilespmem:$0x13B00] =	vst v63  }
0x23: {  	_ = 	snop  }
0x24: {  	[tilespmem:s18], [sflag:$0x3] =	stream.indirect.gather [spmem:s2], $0x40, s3, s16, $0xb8;
	[tilespmem:$0x13B00] =	vst v63  }
0x25: {  	s31 =	simm.s32 $0x7800  }
0x26: {  	[tilespmem:s20], [sflag:$0x4] =	stream.indirect.gather [spmem:s2], $0x40, s31, s16, $0xb8;
	[tilespmem:$0x13B00] =	vst v63  }
0x27: {  	s30 =	simm.s32 $0x0  }
0x28: {  	[tilespmem:s21], [sflag:$0x4] =	stream.indirect.gather [spmem:s2], $0x40, s16, s16, $0xb8;
	[tilespmem:$0x13B00] =	vst v63  }
.LBB2_2:
0x29: {  	_ =	swait.ge [sflag:s22], $0x1400  }
0x2a: {  	[sflag:s22] =	ssyncset.done $0x0  }
0x2b: {  	[sflag:s22] =	ssyncadd.s32 $0xFFFFEC00  }
0x2c: {  	_ =	swait.ge [sflag:s22], $0x1400  }
0x2d: {  	p0 =	seq.s32 s30, $0x0;
	[sflag:s22] =	ssyncset.done $0x0  }
0x2e: {  	s0 =	simm.s32 @!p0 $0x1;
	[sflag:s22] =	ssyncadd.s32 $0xFFFFEC00  }
0x2f: {  	_ =	swait.ge @!p0 [sflag:s0], $0x50  }
0x30: {  	[sflag:s0] =	ssyncset.done @!p0 $0x0  }
0x31: {  	s31 =	simm.s32 $0x0;
	[sflag:s0] =	ssyncadd.s32 @!p0 $0xFFFFFFB0;
	s0 =	simm.s32 $0x0  }
.LBB2_3:
0x32: {  	s1 =	sshll.u32 s0, $0x4  }
0x33: {  	v25 =	vmov s1  }
0x34: {  	v25 =	vshll.u32 v25, $0x6  }
0x35: {  	v31 =	vor.u32 v1, v25  }
0x36: {  	v26 =	vor.u32 v0, v31  }
0x37: {  	v29 =	vadd.s32 s31, v11;
	v25 =	vor.u32 s31, v26  }
0x38: {  	v30 =	vadd.s32 s31, v10;
	v29 =	vand.u32 $0x38, v29;
	v28 =	vor.u32 v3, v31  }
0x39: {  	v33 =	vand.u32 $0x38, v30;
	v27 =	vor.u32 v2, v31;
	v34 =	vor.u32 v29, v28  }
0x3a: {  	v35 =	vor.u32 v33, v27  }
0x3b: {  	v32 =	vadd.s32 s31, v13  }
0x3c: {  	v30 =	vor.u32 v5, v31;
	v29 =	vand.u32 $0x38, v32;
	v37 =	vld.idx.msk [tilespmem:v25+s17+$0x0], $0xffff  }
0x3d: {  	v41 =	vadd.s32 s31, v17;
	v36 =	vor.u32 v29, v30;
	v38 =	vld.idx.msk [tilespmem:v25+s18+$0x0], $0xffff  }
0x3e: {  	v41 =	vand.u32 $0x38, v41;
	v33 =	vor.u32 v9, v31;
	v29 =	vadd.s32 s31, v12;
	v39 =	vld.idx.msk [tilespmem:v34+s18+$0x0], $0xffff  }
0x3f: {  	v32 =	vor.u32 v4, v31;
	v47 =	vor.u32 v41, v33;
	v62 =	vand.u32 $0x38, v29;
	v43 =	vld.idx.msk [tilespmem:v35+s18+$0x0], $0xffff  }
0x40: {  	v42 =	vadd.s32 s31, v15;
	v40 =	vor.u32 v62, v32;
	v35 =	vld.idx.msk [tilespmem:v35+s17+$0x0], $0xffff  }
0x41: {  	v45 =	vadd.s32 s31, v16;
	v56 =	vadd.s32 s31, v14;
	v57 =	vadd.s32 s31, v18;
	v48 =	vld.idx.msk [tilespmem:v34+s17+$0x0], $0xffff  }
0x42: {  	v42 =	vand.u32 $0x38, v42;
	v29 =	vor.u32 v8, v31;
	v25 =	vor.u32 v7, v31;
	v44 =	vld.idx.msk [tilespmem:v36+s18+$0x0], $0xffff  }
0x43: {  	v31 =	vor.u32 v6, v31;
	v34 =	vand.u32 $0x38, v56;
	v63 =	vor.u32 v42, v25;
	v36 =	vld.idx.msk [tilespmem:v36+s17+$0x0], $0xffff  }
0x44: {  	v58 =	vadd.s32 s31, v19;
	v61 =	vadd.s32 s31, v20;
	v53 =	vor.u32 v34, v31;
	v34 =	vld.idx.msk [tilespmem:v47+s18+$0x0], $0xffff  }
0x45: {  	v52 =	vadd.s32 s31, v21;
	v55 =	vand.u32 $0x38, v45;
	v59 =	vand.u32 $0x38, v57;
	v49 =	vld.idx.msk [tilespmem:v40+s18+$0x0], $0xffff  }
0x46: {  	v60 =	vand.u32 $0x38, v58;
	v52 =	vand.u32 $0x38, v52;
	v45 =	vor.u32 v55, v29;
	v51 =	vld.idx.msk [tilespmem:v40+s17+$0x0], $0xffff  }
0x47: {  	v46 =	vor.u32 v59, v27;
	v37 =	vmul.bf16 v38, v37;
	v48 =	vmul.bf16 v39, v48;
	v39 =	vld.idx.msk [tilespmem:v47+s17+$0x0], $0xffff  }
0x48: {  	v56 =	vand.u32 $0x38, v61;
	v42 =	vimm.f32 $0.0e+00;
	v36 =	vmul.bf16 v44, v36;
	v41 =	vld.idx.msk [tilespmem:v63+s17+$0x0], $0xffff  }
0x49: {  	v40 =	vor.u32 v60, v28;
	v47 =	vld.idx.msk [tilespmem:v53+s18+$0x0], $0xffff;
	v38 =	vunpack.i.u.bf16.f32 v37;
	v37 =	vunpack.i.l.bf16.f32 v37  }
0x4a: {  	v54 =	vunpack.i.u.bf16.f32 v48;
	v50 =	vadd.f32 v37, v38;
	v37 =	vld.idx.msk [tilespmem:v63+s18+$0x0], $0xffff;
	v62 =	vunpack.i.u.bf16.f32 v36  }
0x4b: {  	v38 =	vld.idx.msk [tilespmem:v45+s18+$0x0], $0xffff;
	v36 =	vunpack.i.l.bf16.f32 v36;
	v51 =	vmul.bf16 v49, v51;
	v63 =	vunpack.i.l.bf16.f32 v48  }
0x4c: {  	v48 =	vor.u32 v56, v32;
	v49 =	vld.idx.msk [tilespmem:v45+s17+$0x0], $0xffff;
	v36 =	vadd.f32 v36, v62;
	v55 =	vadd.f32 v50, v42  }
0x4d: {  	v45 =	vimm.f32 $0.0e+00;
	v54 =	vadd.f32 v63, v54;
	v50 =	vld.idx.msk [tilespmem:v53+s17+$0x0], $0xffff;
	v53 =	vmul.bf16 v43, v35  }
0x4e: {  	s15 =	simm.s32 $0x10;
	s19 =	simm.s32 $0x0;
	v44 =	vld.idx.msk [tilespmem:v46+s18+$0x0], $0xffff;
	v43 =	vadd.s32 s31, v23;
	v35 =	vimm.f32 $0.0e+00;
	v36 =	vadd.f32 v36, v55  }
.LBB2_4:
0x4f: {  	p1 =	sne.s32 s15, $0x30;
	v55 =	vunpack.i.u.bf16.f32 v53;
	v56 =	vunpack.i.u.bf16.f32 v51;
	v46 =	vld.idx.msk [tilespmem:v46+s17+$0x0], $0xffff;
	v52 =	vor.u32 v52, v30;
	s6 =	smov.u32 s15;
	s15 =	sadd.s32 $0x10, s15  }
0x50: {  	v53 =	vunpack.i.l.bf16.f32 v53;
	v51 =	vunpack.i.l.bf16.f32 v51;
	v57 =	vld.idx.msk [tilespmem:v40+s17+$0x0], $0xffff;
	v42 =	vadd.f32 v54, v42  }
0x51: {  	v53 =	vadd.f32 v53, v55;
	v51 =	vadd.f32 v51, v56;
	v54 =	vadd.s32 s19, v24  }
0x52: {  	v47 =	vmul.bf16 v47, v50;
	v50 =	vadd.s32 s19, v22;
	v54 =	vand.u32 $0x38, v54;
	s19 =	smov.u32 s6  }
0x53: {  	v37 =	vmul.bf16 v37, v41;
	v54 =	vor.u32 v54, v29;
	v45 =	vadd.f32 v53, v45;
	v41 =	vld.idx.msk [tilespmem:v48+s17+$0x0], $0xffff  }
0x54: {  	v53 =	vunpack.i.u.bf16.f32 v47;
	v38 =	vmul.bf16 v38, v49;
	v49 =	vand.u32 $0x38, v50;
	v40 =	vld.idx.msk [tilespmem:v40+s18+$0x0], $0xffff  }
0x55: {  	v34 =	vmul.bf16 v34, v39;
	v47 =	vunpack.i.l.bf16.f32 v47;
	v39 =	vld.idx.msk [tilespmem:v48+s18+$0x0], $0xffff;
	v48 =	vor.u32 v49, v31  }
0x56: {  	v35 =	vadd.f32 v51, v35;
	v44 =	vmul.bf16 v44, v46;
	v49 =	vunpack.i.u.bf16.f32 v38  }
0x57: {  	v50 =	vunpack.i.u.bf16.f32 v34;
	v46 =	vunpack.i.l.bf16.f32 v37;
	v38 =	vunpack.i.l.bf16.f32 v38;
	v51 =	vld.idx.msk [tilespmem:v52+s18+$0x0], $0xffff  }
0x58: {  	v43 =	vand.u32 $0x38, v43;
	v34 =	vunpack.i.l.bf16.f32 v34;
	v37 =	vunpack.i.u.bf16.f32 v37;
	v52 =	vld.idx.msk [tilespmem:v52+s17+$0x0], $0xffff  }
0x59: {  	v34 =	vadd.f32 v34, v50;
	v38 =	vadd.f32 v38, v49;
	v49 =	vunpack.i.l.bf16.f32 v44;
	v50 =	vld.idx.msk [tilespmem:v54+s18+$0x0], $0xffff  }
0x5a: {  	v43 =	vor.u32 v43, v25;
	v37 =	vadd.f32 v46, v37;
	v40 =	vmul.bf16 v40, v57;
	v46 =	vld.idx.msk [tilespmem:v54+s17+$0x0], $0xffff  }
0x5b: {  	v44 =	vunpack.i.u.bf16.f32 v44;
	v34 =	vadd.f32 v34, v36;
	v35 =	vadd.f32 v38, v35  }
0x5c: {  	v36 =	vadd.f32 v47, v53;
	v38 =	vunpack.i.u.bf16.f32 v40;
	v40 =	vunpack.i.l.bf16.f32 v40  }
0x5d: {  	v47 =	vadd.s32 s19, v14;
	v44 =	vadd.f32 v49, v44;
	v39 =	vmul.bf16 v39, v41  }
0x5e: {  	v37 =	vadd.f32 v37, v42;
	v38 =	vadd.f32 v40, v38;
	v40 =	vmul.bf16 v51, v52  }
0x5f: {  	v36 =	vadd.f32 v36, v45;
	v41 =	vadd.s32 s19, v12;
	v42 =	vunpack.i.u.bf16.f32 v39;
	v49 =	vld.idx.msk [tilespmem:v48+s18+$0x0], $0xffff  }
0x60: {  	v45 =	vor.u32 s19, v26;
	v51 =	vadd.s32 s19, v13;
	v46 =	vmul.bf16 v50, v46;
	v52 =	vld.idx.msk [tilespmem:v43+s17+$0x0], $0xffff  }
0x61: {  	v53 =	vadd.s32 s19, v11;
	v39 =	vunpack.i.l.bf16.f32 v39;
	v50 =	vadd.s32 s19, v10;
	v43 =	vld.idx.msk [tilespmem:v43+s18+$0x0], $0xffff  }
0x62: {  	v53 =	vand.u32 $0x38, v53;
	v36 =	vadd.f32 v44, v36;
	v50 =	vand.u32 $0x38, v50;
	v48 =	vld.idx.msk [tilespmem:v48+s17+$0x0], $0xffff  }
0x63: {  	v39 =	vadd.f32 v39, v42;
	v44 =	vor.u32 v50, v27;
	v50 =	vor.u32 v53, v28  }
0x64: {  	v41 =	vand.u32 $0x38, v41;
	v42 =	vand.u32 $0x38, v51;
	v51 =	vunpack.i.l.bf16.f32 v46  }
0x65: {  	v54 =	vadd.f32 v38, v37;
	v42 =	vor.u32 v42, v30;
	v46 =	vunpack.i.u.bf16.f32 v46;
	v53 =	vld.idx.msk [tilespmem:v45+s17+$0x0], $0xffff  }
0x66: {  	v38 =	vor.u32 v41, v32;
	v41 =	vunpack.i.u.bf16.f32 v40;
	v37 =	vld.idx.msk [tilespmem:v45+s18+$0x0], $0xffff;
	v45 =	vadd.f32 v51, v46  }
0x67: {  	v40 =	vunpack.i.l.bf16.f32 v40;
	v46 =	vadd.s32 s19, v16;
	v43 =	vmul.bf16 v43, v52  }
0x68: {  	v35 =	vadd.f32 v39, v35;
	v52 =	vadd.s32 s19, v17;
	v48 =	vmul.bf16 v49, v48;
	v51 =	vld.idx.msk [tilespmem:v50+s18+$0x0], $0xffff  }
0x69: {  	v39 =	vadd.s32 s19, v15;
	v52 =	vand.u32 $0x38, v52;
	v55 =	vunpack.i.u.bf16.f32 v43;
	v49 =	vld.idx.msk [tilespmem:v44+s18+$0x0], $0xffff  }
0x6a: {  	v39 =	vand.u32 $0x38, v39;
	v52 =	vor.u32 v52, v33;
	v57 =	vunpack.i.l.bf16.f32 v48;
	v56 =	vld.idx.msk [tilespmem:v42+s18+$0x0], $0xffff  }
0x6b: {  	v39 =	vor.u32 v39, v25;
	v46 =	vand.u32 $0x38, v46;
	v35 =	vadd.f32 v45, v35;
	v44 =	vld.idx.msk [tilespmem:v44+s17+$0x0], $0xffff  }
0x6c: {  	v58 =	vor.u32 v46, v29;
	v45 =	vunpack.i.u.bf16.f32 v48;
	v37 =	vmul.bf16 v37, v53;
	v42 =	vld.idx.msk [tilespmem:v42+s17+$0x0], $0xffff  }
0x6d: {  	v40 =	vadd.f32 v40, v41;
	v46 =	vand.u32 $0x38, v47;
	v41 =	vadd.f32 v57, v45;
	v48 =	vld.idx.msk [tilespmem:v50+s17+$0x0], $0xffff  }
0x6e: {  	v43 =	vunpack.i.l.bf16.f32 v43;
	v45 =	vunpack.i.u.bf16.f32 v37;
	v37 =	vunpack.i.l.bf16.f32 v37;
	v50 =	vld.idx.msk [tilespmem:v38+s18+$0x0], $0xffff  }
0x6f: {  	v57 =	vadd.f32 v40, v34;
	v47 =	vadd.f32 v37, v45;
	v37 =	vadd.s32 s19, v18;
	v53 =	vld.idx.msk [tilespmem:v38+s17+$0x0], $0xffff  }
0x70: {  	v59 =	vor.u32 v46, v31;
	v40 =	vadd.f32 v43, v55;
	v38 =	vand.u32 $0x38, v37;
	v34 =	vld.idx.msk [tilespmem:v52+s18+$0x0], $0xffff  }
0x71: {  	v43 =	vadd.s32 s19, v19;
	v45 =	vadd.f32 v41, v36;
	v46 =	vor.u32 v38, v27;
	v37 =	vld.idx.msk [tilespmem:v39+s18+$0x0], $0xffff  }
0x72: {  	v43 =	vand.u32 $0x38, v43;
	v36 =	vmul.bf16 v56, v42;
	v42 =	vadd.f32 v40, v54;
	v38 =	vld.idx.msk [tilespmem:v58+s18+$0x0], $0xffff  }
0x73: {  	v55 =	vadd.f32 v47, v57;
	v40 =	vor.u32 v43, v28;
	v43 =	vadd.s32 s19, v20;
	v41 =	vld.idx.msk [tilespmem:v39+s17+$0x0], $0xffff  }
.Ltmp0:
0x74: {  	v48 =	vmul.bf16 v51, v48;
	v51 =	vadd.s32 s19, v21;
	v54 =	vunpack.i.u.bf16.f32 v36;
	v39 =	vld.idx.msk [tilespmem:v52+s17+$0x0], $0xffff;
	(pc) =	sbr.rel @p1 .LBB2_4-.Ltmp0, $4  }
0x75: {  	v56 =	vand.u32 $0x38, v43;
	v36 =	vunpack.i.l.bf16.f32 v36;
	v52 =	vand.u32 $0x38, v51;
	v47 =	vld.idx.msk [tilespmem:v59+s18+$0x0], $0xffff  }
0x76: {  	v57 =	vunpack.i.u.bf16.f32 v48;
	v51 =	vmul.bf16 v50, v53;
	v36 =	vadd.f32 v36, v54;
	v50 =	vld.idx.msk [tilespmem:v59+s17+$0x0], $0xffff  }
0x77: {  	v43 =	vadd.s32 s19, v23;
	v53 =	vmul.bf16 v49, v44;
	v48 =	vunpack.i.l.bf16.f32 v48;
	v44 =	vld.idx.msk [tilespmem:v46+s18+$0x0], $0xffff  }
0x78: {  	v54 =	vadd.f32 v48, v57;
	v48 =	vor.u32 v56, v32;
	v36 =	vadd.f32 v36, v55;
	v49 =	vld.idx.msk [tilespmem:v58+s17+$0x0], $0xffff  }
0x79: {  	_ = 	snop  }
0x7a: {  	v26 =	vunpack.i.u.bf16.f32 v53;
	v27 =	vunpack.i.u.bf16.f32 v51  }
0x7b: {  	v28 =	vor.u32 v52, v30;
	v62 =	vunpack.i.l.bf16.f32 v53;
	v33 =	vunpack.i.l.bf16.f32 v51  }
0x7c: {  	v63 =	vadd.s32 s19, v24;
	v55 =	vmul.bf16 v37, v41;
	v59 =	vand.u32 $0x38, v43  }
0x7d: {  	v32 =	vld.idx.msk [tilespmem:v46+s17+$0x0], $0xffff;
	v34 =	vmul.bf16 v34, v39;
	v42 =	vadd.f32 v54, v42;
	v26 =	vadd.f32 v62, v26  }
0x7e: {  	v51 =	vld.idx.msk [tilespmem:v40+s17+$0x0], $0xffff;
	v27 =	vadd.f32 v33, v27;
	v52 =	vand.u32 $0x38, v63;
	v54 =	vadd.s32 s19, v22  }
0x7f: {  	v56 =	vld.idx.msk [tilespmem:v40+s18+$0x0], $0xffff;
	v25 =	vor.u32 v59, v25;
	v53 =	vmul.bf16 v47, v50;
	v29 =	vor.u32 v52, v29  }
0x80: {  	v58 =	vld.idx.msk [tilespmem:v48+s18+$0x0], $0xffff;
	v57 =	vand.u32 $0x38, v54;
	v63 =	vunpack.i.l.bf16.f32 v55;
	v30 =	vunpack.i.u.bf16.f32 v55  }
0x81: {  	v47 =	vld.idx.msk [tilespmem:v48+s17+$0x0], $0xffff;
	v26 =	vadd.f32 v26, v45;
	v31 =	vor.u32 v57, v31;
	v27 =	vadd.f32 v27, v35  }
0x82: {  	v30 =	vadd.f32 v63, v30;
	v38 =	vmul.bf16 v38, v49;
	v60 =	vunpack.i.u.bf16.f32 v53;
	v61 =	vld.idx.msk [tilespmem:v28+s18+$0x0], $0xffff  }
0x83: {  	v33 =	vunpack.i.l.bf16.f32 v53;
	v49 =	vunpack.i.u.bf16.f32 v34;
	v34 =	vunpack.i.l.bf16.f32 v34;
	v28 =	vld.idx.msk [tilespmem:v28+s17+$0x0], $0xffff  }
0x84: {  	v32 =	vmul.bf16 v44, v32;
	v34 =	vadd.f32 v34, v49;
	v53 =	vmul.bf16 v56, v51;
	v54 =	vld.idx.msk [tilespmem:v25+s17+$0x0], $0xffff  }
0x85: {  	v33 =	vadd.f32 v33, v60;
	v62 =	vunpack.i.u.bf16.f32 v38;
	v38 =	vunpack.i.l.bf16.f32 v38;
	v25 =	vld.idx.msk [tilespmem:v25+s18+$0x0], $0xffff  }
0x86: {  	v30 =	vadd.f32 v30, v42;
	v48 =	vld.idx.msk [tilespmem:v29+s18+$0x0], $0xffff;
	v38 =	vadd.f32 v38, v62;
	v50 =	vunpack.i.l.bf16.f32 v32  }
0x87: {  	v29 =	vld.idx.msk [tilespmem:v29+s17+$0x0], $0xffff;
	v32 =	vunpack.i.u.bf16.f32 v32;
	v34 =	vadd.f32 v34, v36;
	v55 =	vunpack.i.u.bf16.f32 v53  }
0x88: {  	v35 =	vunpack.i.l.bf16.f32 v53;
	v56 =	vmul.bf16 v58, v47;
	v26 =	vadd.f32 v33, v26;
	v52 =	vld.idx.msk [tilespmem:v31+s18+$0x0], $0xffff  }
0x89: {  	v32 =	vadd.f32 v50, v32;
	v31 =	vld.idx.msk [tilespmem:v31+s17+$0x0], $0xffff;
	v35 =	vadd.f32 v35, v55  }
0x8a: {  	v27 =	vadd.f32 v38, v27;
	v57 =	vunpack.i.u.bf16.f32 v56;
	v58 =	vunpack.i.l.bf16.f32 v56  }
0x8b: {  	v28 =	vmul.bf16 v61, v28;
	v26 =	vadd.f32 v32, v26;
	v59 =	vadd.f32 v58, v57  }
0x8c: {  	v30 =	vadd.f32 v35, v30;
	v25 =	vmul.bf16 v25, v54;
	v29 =	vmul.bf16 v48, v29  }
0x8d: {  	v61 =	vunpack.i.u.bf16.f32 v28;
	v28 =	vunpack.i.l.bf16.f32 v28;
	v27 =	vadd.f32 v59, v27  }
0x8e: {  	v31 =	vmul.bf16 v52, v31;
	v62 =	vunpack.i.u.bf16.f32 v25;
	v28 =	vadd.f32 v28, v61  }
0x8f: {  	v25 =	vunpack.i.l.bf16.f32 v25;
	v60 =	vunpack.i.l.bf16.f32 v29;
	v29 =	vunpack.i.u.bf16.f32 v29  }
0x90: {  	v25 =	vadd.f32 v25, v62;
	v63 =	vunpack.i.l.bf16.f32 v31;
	v31 =	vunpack.i.u.bf16.f32 v31  }
0x91: {  	v29 =	vadd.f32 v60, v29;
	v31 =	vadd.f32 v63, v31  }
0x92: {  	v28 =	vadd.f32 v28, v34;
	v25 =	vadd.f32 v25, v30  }
0x93: {  	v27 =	vadd.f32 v29, v27;
	v26 =	vadd.f32 v31, v26;
	_ =	sdelay $0x1  }
0x94: {  	v25 =	vadd.f32 v27, v25;
	v26 =	vadd.f32 v26, v28;
	_ =	sdelay $0x1  }
0x95: {  	v25 =	vadd.f32 v25, v26;
	_ =	sdelay $0x1  }
0x96: {  	v25 =	vsub.f32 $0.0e+00, v25;
	_ =	sdelay $0x1  }
0x97: {  	v25 =	vmul.f32 $1.442695020e+00, v25;
	_ =	sdelay $0x1  }
0x98: {  	(erf) = vpow2.f32 v25;
	_ =	sdelay $0x8  }
0x99: {  	v25 =	vpop (erf)  }
0x9a: {  	v25 =	vadd.f32 $1.000000000e+00, v25;
	_ =	sdelay $0x1  }
0x9b: {  	(erf) = vrcp.f32 v25;
	_ =	sdelay $0x3  }
0x9c: {  	s0 =	sadd.s32 $0x1, s0  }
0x9d: {  	p1 =	sne.s32 s0, $0x5  }
.Ltmp1:
0x9e: {  	_ = 	snop;
	(pc) =	sbr.rel @p1 .LBB2_3-.Ltmp1, $3  }
0x9f: {  	_ =	sdelay $0x1  }
0xa0: {  	v25 =	vpop (erf)  }
0xa1: {  	[tilespmem:s1+$0x2710] =	vst v25  }
0xa2: {  	s31 =	smul.u32 $0xA0, s30;
	_ =	sdelay $0x1  }
0xa3: {  	s0 =	sadd.s32 s4, s31  }
0xa4: {  	s0 =	sshrl.u32 s0, $0x3  }
0xa5: {  	s0 =	sadd.s32 s5, s0  }
0xa6: {  	[hbm4b:s0+s3] =	stream.linear.scatter [tilespmem:s23], [sflag:$0x1], $0x50, $0x38;
	[tilespmem:$0x13B00] =	vst v63  }
0xa7: {  	s15 =	sadd.s32 $0x7850, s31  }
0xa8: {  	[tilespmem:s17], [sflag:$0x3] =	stream.indirect.gather [spmem:s2], $0x40, s15, s16, $0xb8;
	[tilespmem:$0x13B00] =	vst v63  }
0xa9: {  	s19 =	sadd.s32 $0xA0, s31  }
0xaa: {  	[tilespmem:s18], [sflag:$0x3] =	stream.indirect.gather [spmem:s2], $0x40, s19, s16, $0xb8;
	[tilespmem:$0x13B00] =	vst v63  }
0xab: {  	_ =	swait.ge [sflag:s24], $0x1400  }
0xac: {  	[sflag:s24] =	ssyncset.done $0x0  }
0xad: {  	[sflag:s24] =	ssyncadd.s32 $0xFFFFEC00  }
0xae: {  	_ =	swait.ge [sflag:s24], $0x1400  }
0xaf: {  	[sflag:s24] =	ssyncset.done $0x0  }
0xb0: {  	s0 =	simm.s32 @!p0 $0x2;
	[sflag:s24] =	ssyncadd.s32 $0xFFFFEC00  }
0xb1: {  	_ =	swait.ge @!p0 [sflag:s0], $0x50  }
0xb2: {  	[sflag:s0] =	ssyncset.done @!p0 $0x0  }
0xb3: {  	s1 =	simm.s32 $0x0;
	[sflag:s0] =	ssyncadd.s32 @!p0 $0xFFFFFFB0;
	s0 =	simm.s32 $0x0  }
.LBB2_7:
0xb4: {  	s19 =	sshll.u32 s1, $0x4  }
0xb5: {  	v25 =	vmov s19  }
0xb6: {  	v25 =	vshll.u32 v25, $0x6  }
0xb7: {  	v31 =	vor.u32 v1, v25  }
0xb8: {  	v26 =	vor.u32 v0, v31  }
0xb9: {  	v29 =	vadd.s32 s0, v11;
	v25 =	vor.u32 s0, v26  }
0xba: {  	v30 =	vadd.s32 s0, v10;
	v29 =	vand.u32 $0x38, v29;
	v28 =	vor.u32 v3, v31  }
0xbb: {  	v33 =	vand.u32 $0x38, v30;
	v27 =	vor.u32 v2, v31;
	v34 =	vor.u32 v29, v28  }
0xbc: {  	v35 =	vor.u32 v33, v27  }
0xbd: {  	v32 =	vadd.s32 s0, v13  }
0xbe: {  	v30 =	vor.u32 v5, v31;
	v29 =	vand.u32 $0x38, v32;
	v37 =	vld.idx.msk [tilespmem:v25+s20+$0x0], $0xffff  }
0xbf: {  	v41 =	vadd.s32 s0, v17;
	v36 =	vor.u32 v29, v30;
	v38 =	vld.idx.msk [tilespmem:v25+s21+$0x0], $0xffff  }
0xc0: {  	v41 =	vand.u32 $0x38, v41;
	v33 =	vor.u32 v9, v31;
	v29 =	vadd.s32 s0, v12;
	v39 =	vld.idx.msk [tilespmem:v34+s21+$0x0], $0xffff  }
0xc1: {  	v32 =	vor.u32 v4, v31;
	v47 =	vor.u32 v41, v33;
	v62 =	vand.u32 $0x38, v29;
	v43 =	vld.idx.msk [tilespmem:v35+s21+$0x0], $0xffff  }
0xc2: {  	v42 =	vadd.s32 s0, v15;
	v40 =	vor.u32 v62, v32;
	v35 =	vld.idx.msk [tilespmem:v35+s20+$0x0], $0xffff  }
0xc3: {  	v45 =	vadd.s32 s0, v16;
	v56 =	vadd.s32 s0, v14;
	v57 =	vadd.s32 s0, v18;
	v48 =	vld.idx.msk [tilespmem:v34+s20+$0x0], $0xffff  }
0xc4: {  	v42 =	vand.u32 $0x38, v42;
	v29 =	vor.u32 v8, v31;
	v25 =	vor.u32 v7, v31;
	v44 =	vld.idx.msk [tilespmem:v36+s21+$0x0], $0xffff  }
0xc5: {  	v31 =	vor.u32 v6, v31;
	v34 =	vand.u32 $0x38, v56;
	v63 =	vor.u32 v42, v25;
	v36 =	vld.idx.msk [tilespmem:v36+s20+$0x0], $0xffff  }
0xc6: {  	v58 =	vadd.s32 s0, v19;
	v61 =	vadd.s32 s0, v20;
	v53 =	vor.u32 v34, v31;
	v34 =	vld.idx.msk [tilespmem:v47+s21+$0x0], $0xffff  }
0xc7: {  	v52 =	vadd.s32 s0, v21;
	v55 =	vand.u32 $0x38, v45;
	v59 =	vand.u32 $0x38, v57;
	v49 =	vld.idx.msk [tilespmem:v40+s21+$0x0], $0xffff  }
0xc8: {  	v60 =	vand.u32 $0x38, v58;
	v52 =	vand.u32 $0x38, v52;
	v45 =	vor.u32 v55, v29;
	v51 =	vld.idx.msk [tilespmem:v40+s20+$0x0], $0xffff  }
0xc9: {  	v46 =	vor.u32 v59, v27;
	v37 =	vmul.bf16 v38, v37;
	v48 =	vmul.bf16 v39, v48;
	v39 =	vld.idx.msk [tilespmem:v47+s20+$0x0], $0xffff  }
0xca: {  	v56 =	vand.u32 $0x38, v61;
	v42 =	vimm.f32 $0.0e+00;
	v36 =	vmul.bf16 v44, v36;
	v41 =	vld.idx.msk [tilespmem:v63+s20+$0x0], $0xffff  }
0xcb: {  	v40 =	vor.u32 v60, v28;
	v47 =	vld.idx.msk [tilespmem:v53+s21+$0x0], $0xffff;
	v38 =	vunpack.i.u.bf16.f32 v37;
	v37 =	vunpack.i.l.bf16.f32 v37  }
0xcc: {  	v54 =	vunpack.i.u.bf16.f32 v48;
	v50 =	vadd.f32 v37, v38;
	v37 =	vld.idx.msk [tilespmem:v63+s21+$0x0], $0xffff;
	v62 =	vunpack.i.u.bf16.f32 v36  }
0xcd: {  	v38 =	vld.idx.msk [tilespmem:v45+s21+$0x0], $0xffff;
	v36 =	vunpack.i.l.bf16.f32 v36;
	v51 =	vmul.bf16 v49, v51;
	v63 =	vunpack.i.l.bf16.f32 v48  }
0xce: {  	v48 =	vor.u32 v56, v32;
	v49 =	vld.idx.msk [tilespmem:v45+s20+$0x0], $0xffff;
	v36 =	vadd.f32 v36, v62;
	v55 =	vadd.f32 v50, v42  }
0xcf: {  	v45 =	vimm.f32 $0.0e+00;
	v54 =	vadd.f32 v63, v54;
	v50 =	vld.idx.msk [tilespmem:v53+s20+$0x0], $0xffff;
	v53 =	vmul.bf16 v43, v35  }
0xd0: {  	s6 =	simm.s32 $0x10;
	s15 =	simm.s32 $0x0;
	v44 =	vld.idx.msk [tilespmem:v46+s21+$0x0], $0xffff;
	v43 =	vadd.s32 s0, v23;
	v35 =	vimm.f32 $0.0e+00;
	v36 =	vadd.f32 v36, v55  }
.LBB2_8:
0xd1: {  	p0 =	sne.s32 s6, $0x30;
	v55 =	vunpack.i.u.bf16.f32 v53;
	v56 =	vunpack.i.u.bf16.f32 v51;
	v46 =	vld.idx.msk [tilespmem:v46+s20+$0x0], $0xffff;
	v52 =	vor.u32 v52, v30;
	s7 =	smov.u32 s6;
	s6 =	sadd.s32 $0x10, s6  }
0xd2: {  	v53 =	vunpack.i.l.bf16.f32 v53;
	v51 =	vunpack.i.l.bf16.f32 v51;
	v57 =	vld.idx.msk [tilespmem:v40+s20+$0x0], $0xffff;
	v42 =	vadd.f32 v54, v42  }
0xd3: {  	v53 =	vadd.f32 v53, v55;
	v51 =	vadd.f32 v51, v56;
	v54 =	vadd.s32 s15, v24  }
0xd4: {  	v47 =	vmul.bf16 v47, v50;
	v50 =	vadd.s32 s15, v22;
	v54 =	vand.u32 $0x38, v54;
	s15 =	smov.u32 s7  }
0xd5: {  	v37 =	vmul.bf16 v37, v41;
	v54 =	vor.u32 v54, v29;
	v45 =	vadd.f32 v53, v45;
	v41 =	vld.idx.msk [tilespmem:v48+s20+$0x0], $0xffff  }
0xd6: {  	v53 =	vunpack.i.u.bf16.f32 v47;
	v38 =	vmul.bf16 v38, v49;
	v49 =	vand.u32 $0x38, v50;
	v40 =	vld.idx.msk [tilespmem:v40+s21+$0x0], $0xffff  }
0xd7: {  	v34 =	vmul.bf16 v34, v39;
	v47 =	vunpack.i.l.bf16.f32 v47;
	v39 =	vld.idx.msk [tilespmem:v48+s21+$0x0], $0xffff;
	v48 =	vor.u32 v49, v31  }
0xd8: {  	v35 =	vadd.f32 v51, v35;
	v44 =	vmul.bf16 v44, v46;
	v49 =	vunpack.i.u.bf16.f32 v38  }
0xd9: {  	v50 =	vunpack.i.u.bf16.f32 v34;
	v46 =	vunpack.i.l.bf16.f32 v37;
	v38 =	vunpack.i.l.bf16.f32 v38;
	v51 =	vld.idx.msk [tilespmem:v52+s21+$0x0], $0xffff  }
0xda: {  	v43 =	vand.u32 $0x38, v43;
	v34 =	vunpack.i.l.bf16.f32 v34;
	v37 =	vunpack.i.u.bf16.f32 v37;
	v52 =	vld.idx.msk [tilespmem:v52+s20+$0x0], $0xffff  }
0xdb: {  	v34 =	vadd.f32 v34, v50;
	v38 =	vadd.f32 v38, v49;
	v49 =	vunpack.i.l.bf16.f32 v44;
	v50 =	vld.idx.msk [tilespmem:v54+s21+$0x0], $0xffff  }
0xdc: {  	v43 =	vor.u32 v43, v25;
	v37 =	vadd.f32 v46, v37;
	v40 =	vmul.bf16 v40, v57;
	v46 =	vld.idx.msk [tilespmem:v54+s20+$0x0], $0xffff  }
0xdd: {  	v44 =	vunpack.i.u.bf16.f32 v44;
	v34 =	vadd.f32 v34, v36;
	v35 =	vadd.f32 v38, v35  }
0xde: {  	v36 =	vadd.f32 v47, v53;
	v38 =	vunpack.i.u.bf16.f32 v40;
	v40 =	vunpack.i.l.bf16.f32 v40  }
0xdf: {  	v47 =	vadd.s32 s15, v14;
	v44 =	vadd.f32 v49, v44;
	v39 =	vmul.bf16 v39, v41  }
0xe0: {  	v37 =	vadd.f32 v37, v42;
	v38 =	vadd.f32 v40, v38;
	v40 =	vmul.bf16 v51, v52  }
0xe1: {  	v36 =	vadd.f32 v36, v45;
	v41 =	vadd.s32 s15, v12;
	v42 =	vunpack.i.u.bf16.f32 v39;
	v49 =	vld.idx.msk [tilespmem:v48+s21+$0x0], $0xffff  }
0xe2: {  	v45 =	vor.u32 s15, v26;
	v51 =	vadd.s32 s15, v13;
	v46 =	vmul.bf16 v50, v46;
	v52 =	vld.idx.msk [tilespmem:v43+s20+$0x0], $0xffff  }
0xe3: {  	v53 =	vadd.s32 s15, v11;
	v39 =	vunpack.i.l.bf16.f32 v39;
	v50 =	vadd.s32 s15, v10;
	v43 =	vld.idx.msk [tilespmem:v43+s21+$0x0], $0xffff  }
0xe4: {  	v53 =	vand.u32 $0x38, v53;
	v36 =	vadd.f32 v44, v36;
	v50 =	vand.u32 $0x38, v50;
	v48 =	vld.idx.msk [tilespmem:v48+s20+$0x0], $0xffff  }
0xe5: {  	v39 =	vadd.f32 v39, v42;
	v44 =	vor.u32 v50, v27;
	v50 =	vor.u32 v53, v28  }
0xe6: {  	v41 =	vand.u32 $0x38, v41;
	v42 =	vand.u32 $0x38, v51;
	v51 =	vunpack.i.l.bf16.f32 v46  }
0xe7: {  	v54 =	vadd.f32 v38, v37;
	v42 =	vor.u32 v42, v30;
	v46 =	vunpack.i.u.bf16.f32 v46;
	v53 =	vld.idx.msk [tilespmem:v45+s20+$0x0], $0xffff  }
0xe8: {  	v38 =	vor.u32 v41, v32;
	v41 =	vunpack.i.u.bf16.f32 v40;
	v37 =	vld.idx.msk [tilespmem:v45+s21+$0x0], $0xffff;
	v45 =	vadd.f32 v51, v46  }
0xe9: {  	v40 =	vunpack.i.l.bf16.f32 v40;
	v46 =	vadd.s32 s15, v16;
	v43 =	vmul.bf16 v43, v52  }
0xea: {  	v35 =	vadd.f32 v39, v35;
	v52 =	vadd.s32 s15, v17;
	v48 =	vmul.bf16 v49, v48;
	v51 =	vld.idx.msk [tilespmem:v50+s21+$0x0], $0xffff  }
0xeb: {  	v39 =	vadd.s32 s15, v15;
	v52 =	vand.u32 $0x38, v52;
	v55 =	vunpack.i.u.bf16.f32 v43;
	v49 =	vld.idx.msk [tilespmem:v44+s21+$0x0], $0xffff  }
0xec: {  	v39 =	vand.u32 $0x38, v39;
	v52 =	vor.u32 v52, v33;
	v57 =	vunpack.i.l.bf16.f32 v48;
	v56 =	vld.idx.msk [tilespmem:v42+s21+$0x0], $0xffff  }
0xed: {  	v39 =	vor.u32 v39, v25;
	v46 =	vand.u32 $0x38, v46;
	v35 =	vadd.f32 v45, v35;
	v44 =	vld.idx.msk [tilespmem:v44+s20+$0x0], $0xffff  }
0xee: {  	v58 =	vor.u32 v46, v29;
	v45 =	vunpack.i.u.bf16.f32 v48;
	v37 =	vmul.bf16 v37, v53;
	v42 =	vld.idx.msk [tilespmem:v42+s20+$0x0], $0xffff  }
0xef: {  	v40 =	vadd.f32 v40, v41;
	v46 =	vand.u32 $0x38, v47;
	v41 =	vadd.f32 v57, v45;
	v48 =	vld.idx.msk [tilespmem:v50+s20+$0x0], $0xffff  }
0xf0: {  	v43 =	vunpack.i.l.bf16.f32 v43;
	v45 =	vunpack.i.u.bf16.f32 v37;
	v37 =	vunpack.i.l.bf16.f32 v37;
	v50 =	vld.idx.msk [tilespmem:v38+s21+$0x0], $0xffff  }
0xf1: {  	v57 =	vadd.f32 v40, v34;
	v47 =	vadd.f32 v37, v45;
	v37 =	vadd.s32 s15, v18;
	v53 =	vld.idx.msk [tilespmem:v38+s20+$0x0], $0xffff  }
0xf2: {  	v59 =	vor.u32 v46, v31;
	v40 =	vadd.f32 v43, v55;
	v38 =	vand.u32 $0x38, v37;
	v34 =	vld.idx.msk [tilespmem:v52+s21+$0x0], $0xffff  }
0xf3: {  	v43 =	vadd.s32 s15, v19;
	v45 =	vadd.f32 v41, v36;
	v46 =	vor.u32 v38, v27;
	v37 =	vld.idx.msk [tilespmem:v39+s21+$0x0], $0xffff  }
0xf4: {  	v43 =	vand.u32 $0x38, v43;
	v36 =	vmul.bf16 v56, v42;
	v42 =	vadd.f32 v40, v54;
	v38 =	vld.idx.msk [tilespmem:v58+s21+$0x0], $0xffff  }
0xf5: {  	v55 =	vadd.f32 v47, v57;
	v40 =	vor.u32 v43, v28;
	v43 =	vadd.s32 s15, v20;
	v41 =	vld.idx.msk [tilespmem:v39+s20+$0x0], $0xffff  }
.Ltmp2:
0xf6: {  	v48 =	vmul.bf16 v51, v48;
	v51 =	vadd.s32 s15, v21;
	v54 =	vunpack.i.u.bf16.f32 v36;
	v39 =	vld.idx.msk [tilespmem:v52+s20+$0x0], $0xffff;
	(pc) =	sbr.rel @p0 .LBB2_8-.Ltmp2, $4  }
0xf7: {  	v56 =	vand.u32 $0x38, v43;
	v36 =	vunpack.i.l.bf16.f32 v36;
	v52 =	vand.u32 $0x38, v51;
	v47 =	vld.idx.msk [tilespmem:v59+s21+$0x0], $0xffff  }
0xf8: {  	v57 =	vunpack.i.u.bf16.f32 v48;
	v51 =	vmul.bf16 v50, v53;
	v36 =	vadd.f32 v36, v54;
	v50 =	vld.idx.msk [tilespmem:v59+s20+$0x0], $0xffff  }
0xf9: {  	v43 =	vadd.s32 s15, v23;
	v53 =	vmul.bf16 v49, v44;
	v48 =	vunpack.i.l.bf16.f32 v48;
	v44 =	vld.idx.msk [tilespmem:v46+s21+$0x0], $0xffff  }
0xfa: {  	v54 =	vadd.f32 v48, v57;
	v48 =	vor.u32 v56, v32;
	v36 =	vadd.f32 v36, v55;
	v49 =	vld.idx.msk [tilespmem:v58+s20+$0x0], $0xffff  }
0xfb: {  	_ = 	snop  }
0xfc: {  	v26 =	vunpack.i.u.bf16.f32 v53;
	v27 =	vunpack.i.u.bf16.f32 v51  }
0xfd: {  	v28 =	vor.u32 v52, v30;
	v62 =	vunpack.i.l.bf16.f32 v53;
	v33 =	vunpack.i.l.bf16.f32 v51  }
0xfe: {  	v63 =	vadd.s32 s15, v24;
	v55 =	vmul.bf16 v37, v41;
	v59 =	vand.u32 $0x38, v43  }
0xff: {  	v32 =	vld.idx.msk [tilespmem:v46+s20+$0x0], $0xffff;
	v34 =	vmul.bf16 v34, v39;
	v42 =	vadd.f32 v54, v42;
	v26 =	vadd.f32 v62, v26  }
0x100: {  	v51 =	vld.idx.msk [tilespmem:v40+s20+$0x0], $0xffff;
	v27 =	vadd.f32 v33, v27;
	v52 =	vand.u32 $0x38, v63;
	v54 =	vadd.s32 s15, v22  }
0x101: {  	v56 =	vld.idx.msk [tilespmem:v40+s21+$0x0], $0xffff;
	v25 =	vor.u32 v59, v25;
	v53 =	vmul.bf16 v47, v50;
	v29 =	vor.u32 v52, v29  }
0x102: {  	v58 =	vld.idx.msk [tilespmem:v48+s21+$0x0], $0xffff;
	v57 =	vand.u32 $0x38, v54;
	v63 =	vunpack.i.l.bf16.f32 v55;
	v30 =	vunpack.i.u.bf16.f32 v55  }
0x103: {  	v47 =	vld.idx.msk [tilespmem:v48+s20+$0x0], $0xffff;
	v26 =	vadd.f32 v26, v45;
	v31 =	vor.u32 v57, v31;
	v27 =	vadd.f32 v27, v35  }
0x104: {  	v30 =	vadd.f32 v63, v30;
	v38 =	vmul.bf16 v38, v49;
	v60 =	vunpack.i.u.bf16.f32 v53;
	v61 =	vld.idx.msk [tilespmem:v28+s21+$0x0], $0xffff  }
0x105: {  	v33 =	vunpack.i.l.bf16.f32 v53;
	v49 =	vunpack.i.u.bf16.f32 v34;
	v34 =	vunpack.i.l.bf16.f32 v34;
	v28 =	vld.idx.msk [tilespmem:v28+s20+$0x0], $0xffff  }
0x106: {  	v32 =	vmul.bf16 v44, v32;
	v34 =	vadd.f32 v34, v49;
	v53 =	vmul.bf16 v56, v51;
	v54 =	vld.idx.msk [tilespmem:v25+s20+$0x0], $0xffff  }
0x107: {  	v33 =	vadd.f32 v33, v60;
	v62 =	vunpack.i.u.bf16.f32 v38;
	v38 =	vunpack.i.l.bf16.f32 v38;
	v25 =	vld.idx.msk [tilespmem:v25+s21+$0x0], $0xffff  }
0x108: {  	v30 =	vadd.f32 v30, v42;
	v48 =	vld.idx.msk [tilespmem:v29+s21+$0x0], $0xffff;
	v38 =	vadd.f32 v38, v62;
	v50 =	vunpack.i.l.bf16.f32 v32  }
0x109: {  	v29 =	vld.idx.msk [tilespmem:v29+s20+$0x0], $0xffff;
	v32 =	vunpack.i.u.bf16.f32 v32;
	v34 =	vadd.f32 v34, v36;
	v55 =	vunpack.i.u.bf16.f32 v53  }
0x10a: {  	v35 =	vunpack.i.l.bf16.f32 v53;
	v56 =	vmul.bf16 v58, v47;
	v26 =	vadd.f32 v33, v26;
	v52 =	vld.idx.msk [tilespmem:v31+s21+$0x0], $0xffff  }
0x10b: {  	v32 =	vadd.f32 v50, v32;
	v31 =	vld.idx.msk [tilespmem:v31+s20+$0x0], $0xffff;
	v35 =	vadd.f32 v35, v55  }
0x10c: {  	v27 =	vadd.f32 v38, v27;
	v57 =	vunpack.i.u.bf16.f32 v56;
	v58 =	vunpack.i.l.bf16.f32 v56  }
0x10d: {  	v28 =	vmul.bf16 v61, v28;
	v26 =	vadd.f32 v32, v26;
	v59 =	vadd.f32 v58, v57  }
0x10e: {  	v30 =	vadd.f32 v35, v30;
	v25 =	vmul.bf16 v25, v54;
	v29 =	vmul.bf16 v48, v29  }
0x10f: {  	v61 =	vunpack.i.u.bf16.f32 v28;
	v28 =	vunpack.i.l.bf16.f32 v28;
	v27 =	vadd.f32 v59, v27  }
0x110: {  	v31 =	vmul.bf16 v52, v31;
	v62 =	vunpack.i.u.bf16.f32 v25;
	v28 =	vadd.f32 v28, v61  }
0x111: {  	v25 =	vunpack.i.l.bf16.f32 v25;
	v60 =	vunpack.i.l.bf16.f32 v29;
	v29 =	vunpack.i.u.bf16.f32 v29  }
0x112: {  	v25 =	vadd.f32 v25, v62;
	v63 =	vunpack.i.l.bf16.f32 v31;
	v31 =	vunpack.i.u.bf16.f32 v31  }
0x113: {  	v29 =	vadd.f32 v60, v29;
	v31 =	vadd.f32 v63, v31  }
0x114: {  	v28 =	vadd.f32 v28, v34;
	v25 =	vadd.f32 v25, v30  }
0x115: {  	v27 =	vadd.f32 v29, v27;
	v26 =	vadd.f32 v31, v26;
	_ =	sdelay $0x1  }
0x116: {  	v25 =	vadd.f32 v27, v25;
	v26 =	vadd.f32 v26, v28;
	_ =	sdelay $0x1  }
0x117: {  	v25 =	vadd.f32 v25, v26;
	_ =	sdelay $0x1  }
0x118: {  	v25 =	vsub.f32 $0.0e+00, v25;
	_ =	sdelay $0x1  }
0x119: {  	v25 =	vmul.f32 $1.442695020e+00, v25;
	_ =	sdelay $0x1  }
0x11a: {  	(erf) = vpow2.f32 v25;
	_ =	sdelay $0x8  }
0x11b: {  	v25 =	vpop (erf)  }
0x11c: {  	v25 =	vadd.f32 $1.000000000e+00, v25;
	_ =	sdelay $0x1  }
0x11d: {  	(erf) = vrcp.f32 v25;
	_ =	sdelay $0x3  }
0x11e: {  	s1 =	sadd.s32 $0x1, s1  }
0x11f: {  	p0 =	sne.s32 s1, $0x5  }
.Ltmp3:
0x120: {  	_ = 	snop;
	(pc) =	sbr.rel @p0 .LBB2_7-.Ltmp3, $3  }
0x121: {  	_ =	sdelay $0x1  }
0x122: {  	v25 =	vpop (erf)  }
0x123: {  	[tilespmem:s19+$0x2760] =	vst v25  }
0x124: {  	p0 =	seq.s32 s30, $0x3D  }
.Ltmp4:
0x125: {  	_ = 	snop;
	(pc) =	sbr.rel @p0 .LBB2_12-.Ltmp4, $4  }
0x126: {  	s0 =	sadd.s32 s31, s10  }
0x127: {  	s0 =	sshrl.u32 s0, $0x3  }
0x128: {  	s0 =	sadd.s32 s5, s0  }
0x129: {  	[hbm4b:s0+s3] =	stream.linear.scatter [tilespmem:s25], [sflag:$0x2], $0x50, $0x38;
	[tilespmem:$0x13B00] =	vst v63  }
.Ltmp5:
0x12a: {  	(pc) =	sbr.rel .LBB2_2-.Ltmp5, $4  }
0x12b: {  	s0 =	sadd.s32 $0x78A0, s31  }
0x12c: {  	[tilespmem:s20], [sflag:$0x4] =	stream.indirect.gather [spmem:s2], $0x40, s0, s16, $0xb8;
	[tilespmem:$0x13B00] =	vst v63  }
0x12d: {  	s31 =	sadd.s32 $0xF0, s31;
	s30 =	sadd.s32 $0x1, s30  }
0x12e: {  	[tilespmem:s21], [sflag:$0x4] =	stream.indirect.gather [spmem:s2], $0x40, s31, s16, $0xb8;
	[tilespmem:$0x13B00] =	vst v63  }
.LBB2_12:
0x12f: {  	_ =	swait.ge [sflag:s22], $0x1400  }
0x130: {  	[sflag:s22] =	ssyncset.done $0x0  }
0x131: {  	[sflag:s22] =	ssyncadd.s32 $0xFFFFEC00  }
0x132: {  	_ =	swait.ge [sflag:s22], $0x1400  }
0x133: {  	[sflag:s22] =	ssyncset.done $0x0  }
0x134: {  	[sflag:s22] =	ssyncadd.s32 $0xFFFFEC00  }
0x135: {  	_ =	swait.ge [sflag:s26], $0x50  }
0x136: {  	[sflag:s26] =	ssyncset.done $0x0  }
0x137: {  	s0 =	simm.s32 $0x0;
	s1 =	simm.s32 $0x0;
	[sflag:s26] =	ssyncadd.s32 $0xFFFFFFB0  }
.LBB2_13:
0x138: {  	s19 =	sshll.u32 s1, $0x4  }
0x139: {  	v25 =	vmov s19  }
0x13a: {  	v25 =	vshll.u32 v25, $0x6  }
0x13b: {  	v31 =	vor.u32 v1, v25  }
0x13c: {  	v26 =	vor.u32 v0, v31  }
0x13d: {  	v29 =	vadd.s32 s0, v11;
	v25 =	vor.u32 s0, v26  }
0x13e: {  	v30 =	vadd.s32 s0, v10;
	v29 =	vand.u32 $0x38, v29;
	v28 =	vor.u32 v3, v31  }
0x13f: {  	v33 =	vand.u32 $0x38, v30;
	v27 =	vor.u32 v2, v31;
	v34 =	vor.u32 v29, v28  }
0x140: {  	v35 =	vor.u32 v33, v27  }
0x141: {  	v32 =	vadd.s32 s0, v13  }
0x142: {  	v30 =	vor.u32 v5, v31;
	v29 =	vand.u32 $0x38, v32;
	v37 =	vld.idx.msk [tilespmem:v25+s17+$0x0], $0xffff  }
0x143: {  	v41 =	vadd.s32 s0, v17;
	v36 =	vor.u32 v29, v30;
	v38 =	vld.idx.msk [tilespmem:v25+s18+$0x0], $0xffff  }
0x144: {  	v41 =	vand.u32 $0x38, v41;
	v33 =	vor.u32 v9, v31;
	v29 =	vadd.s32 s0, v12;
	v39 =	vld.idx.msk [tilespmem:v34+s18+$0x0], $0xffff  }
0x145: {  	v32 =	vor.u32 v4, v31;
	v47 =	vor.u32 v41, v33;
	v62 =	vand.u32 $0x38, v29;
	v43 =	vld.idx.msk [tilespmem:v35+s18+$0x0], $0xffff  }
0x146: {  	v42 =	vadd.s32 s0, v15;
	v40 =	vor.u32 v62, v32;
	v35 =	vld.idx.msk [tilespmem:v35+s17+$0x0], $0xffff  }
0x147: {  	v45 =	vadd.s32 s0, v16;
	v56 =	vadd.s32 s0, v14;
	v57 =	vadd.s32 s0, v18;
	v48 =	vld.idx.msk [tilespmem:v34+s17+$0x0], $0xffff  }
0x148: {  	v42 =	vand.u32 $0x38, v42;
	v29 =	vor.u32 v8, v31;
	v25 =	vor.u32 v7, v31;
	v44 =	vld.idx.msk [tilespmem:v36+s18+$0x0], $0xffff  }
0x149: {  	v31 =	vor.u32 v6, v31;
	v34 =	vand.u32 $0x38, v56;
	v63 =	vor.u32 v42, v25;
	v36 =	vld.idx.msk [tilespmem:v36+s17+$0x0], $0xffff  }
0x14a: {  	v58 =	vadd.s32 s0, v19;
	v61 =	vadd.s32 s0, v20;
	v53 =	vor.u32 v34, v31;
	v34 =	vld.idx.msk [tilespmem:v47+s18+$0x0], $0xffff  }
0x14b: {  	v52 =	vadd.s32 s0, v21;
	v55 =	vand.u32 $0x38, v45;
	v59 =	vand.u32 $0x38, v57;
	v49 =	vld.idx.msk [tilespmem:v40+s18+$0x0], $0xffff  }
0x14c: {  	v60 =	vand.u32 $0x38, v58;
	v52 =	vand.u32 $0x38, v52;
	v45 =	vor.u32 v55, v29;
	v51 =	vld.idx.msk [tilespmem:v40+s17+$0x0], $0xffff  }
0x14d: {  	v46 =	vor.u32 v59, v27;
	v37 =	vmul.bf16 v38, v37;
	v48 =	vmul.bf16 v39, v48;
	v39 =	vld.idx.msk [tilespmem:v47+s17+$0x0], $0xffff  }
0x14e: {  	v56 =	vand.u32 $0x38, v61;
	v42 =	vimm.f32 $0.0e+00;
	v36 =	vmul.bf16 v44, v36;
	v41 =	vld.idx.msk [tilespmem:v63+s17+$0x0], $0xffff  }
0x14f: {  	v40 =	vor.u32 v60, v28;
	v47 =	vld.idx.msk [tilespmem:v53+s18+$0x0], $0xffff;
	v38 =	vunpack.i.u.bf16.f32 v37;
	v37 =	vunpack.i.l.bf16.f32 v37  }
0x150: {  	v54 =	vunpack.i.u.bf16.f32 v48;
	v50 =	vadd.f32 v37, v38;
	v37 =	vld.idx.msk [tilespmem:v63+s18+$0x0], $0xffff;
	v62 =	vunpack.i.u.bf16.f32 v36  }
0x151: {  	v38 =	vld.idx.msk [tilespmem:v45+s18+$0x0], $0xffff;
	v36 =	vunpack.i.l.bf16.f32 v36;
	v51 =	vmul.bf16 v49, v51;
	v63 =	vunpack.i.l.bf16.f32 v48  }
0x152: {  	v48 =	vor.u32 v56, v32;
	v49 =	vld.idx.msk [tilespmem:v45+s17+$0x0], $0xffff;
	v36 =	vadd.f32 v36, v62;
	v55 =	vadd.f32 v50, v42  }
0x153: {  	v45 =	vimm.f32 $0.0e+00;
	v54 =	vadd.f32 v63, v54;
	v50 =	vld.idx.msk [tilespmem:v53+s17+$0x0], $0xffff;
	v53 =	vmul.bf16 v43, v35  }
0x154: {  	s6 =	simm.s32 $0x10;
	s15 =	simm.s32 $0x0;
	v44 =	vld.idx.msk [tilespmem:v46+s18+$0x0], $0xffff;
	v43 =	vadd.s32 s0, v23;
	v35 =	vimm.f32 $0.0e+00;
	v36 =	vadd.f32 v36, v55  }
.LBB2_14:
0x155: {  	p0 =	sne.s32 s6, $0x30;
	v55 =	vunpack.i.u.bf16.f32 v53;
	v56 =	vunpack.i.u.bf16.f32 v51;
	v46 =	vld.idx.msk [tilespmem:v46+s17+$0x0], $0xffff;
	v52 =	vor.u32 v52, v30;
	s7 =	smov.u32 s6;
	s6 =	sadd.s32 $0x10, s6  }
0x156: {  	v53 =	vunpack.i.l.bf16.f32 v53;
	v51 =	vunpack.i.l.bf16.f32 v51;
	v57 =	vld.idx.msk [tilespmem:v40+s17+$0x0], $0xffff;
	v42 =	vadd.f32 v54, v42  }
0x157: {  	v53 =	vadd.f32 v53, v55;
	v51 =	vadd.f32 v51, v56;
	v54 =	vadd.s32 s15, v24  }
0x158: {  	v47 =	vmul.bf16 v47, v50;
	v50 =	vadd.s32 s15, v22;
	v54 =	vand.u32 $0x38, v54;
	s15 =	smov.u32 s7  }
0x159: {  	v37 =	vmul.bf16 v37, v41;
	v54 =	vor.u32 v54, v29;
	v45 =	vadd.f32 v53, v45;
	v41 =	vld.idx.msk [tilespmem:v48+s17+$0x0], $0xffff  }
0x15a: {  	v53 =	vunpack.i.u.bf16.f32 v47;
	v38 =	vmul.bf16 v38, v49;
	v49 =	vand.u32 $0x38, v50;
	v40 =	vld.idx.msk [tilespmem:v40+s18+$0x0], $0xffff  }
0x15b: {  	v34 =	vmul.bf16 v34, v39;
	v47 =	vunpack.i.l.bf16.f32 v47;
	v39 =	vld.idx.msk [tilespmem:v48+s18+$0x0], $0xffff;
	v48 =	vor.u32 v49, v31  }
0x15c: {  	v35 =	vadd.f32 v51, v35;
	v44 =	vmul.bf16 v44, v46;
	v49 =	vunpack.i.u.bf16.f32 v38  }
0x15d: {  	v50 =	vunpack.i.u.bf16.f32 v34;
	v46 =	vunpack.i.l.bf16.f32 v37;
	v38 =	vunpack.i.l.bf16.f32 v38;
	v51 =	vld.idx.msk [tilespmem:v52+s18+$0x0], $0xffff  }
0x15e: {  	v43 =	vand.u32 $0x38, v43;
	v34 =	vunpack.i.l.bf16.f32 v34;
	v37 =	vunpack.i.u.bf16.f32 v37;
	v52 =	vld.idx.msk [tilespmem:v52+s17+$0x0], $0xffff  }
0x15f: {  	v34 =	vadd.f32 v34, v50;
	v38 =	vadd.f32 v38, v49;
	v49 =	vunpack.i.l.bf16.f32 v44;
	v50 =	vld.idx.msk [tilespmem:v54+s18+$0x0], $0xffff  }
0x160: {  	v43 =	vor.u32 v43, v25;
	v37 =	vadd.f32 v46, v37;
	v40 =	vmul.bf16 v40, v57;
	v46 =	vld.idx.msk [tilespmem:v54+s17+$0x0], $0xffff  }
0x161: {  	v44 =	vunpack.i.u.bf16.f32 v44;
	v34 =	vadd.f32 v34, v36;
	v35 =	vadd.f32 v38, v35  }
0x162: {  	v36 =	vadd.f32 v47, v53;
	v38 =	vunpack.i.u.bf16.f32 v40;
	v40 =	vunpack.i.l.bf16.f32 v40  }
0x163: {  	v47 =	vadd.s32 s15, v14;
	v44 =	vadd.f32 v49, v44;
	v39 =	vmul.bf16 v39, v41  }
0x164: {  	v37 =	vadd.f32 v37, v42;
	v38 =	vadd.f32 v40, v38;
	v40 =	vmul.bf16 v51, v52  }
0x165: {  	v36 =	vadd.f32 v36, v45;
	v41 =	vadd.s32 s15, v12;
	v42 =	vunpack.i.u.bf16.f32 v39;
	v49 =	vld.idx.msk [tilespmem:v48+s18+$0x0], $0xffff  }
0x166: {  	v45 =	vor.u32 s15, v26;
	v51 =	vadd.s32 s15, v13;
	v46 =	vmul.bf16 v50, v46;
	v52 =	vld.idx.msk [tilespmem:v43+s17+$0x0], $0xffff  }
0x167: {  	v53 =	vadd.s32 s15, v11;
	v39 =	vunpack.i.l.bf16.f32 v39;
	v50 =	vadd.s32 s15, v10;
	v43 =	vld.idx.msk [tilespmem:v43+s18+$0x0], $0xffff  }
0x168: {  	v53 =	vand.u32 $0x38, v53;
	v36 =	vadd.f32 v44, v36;
	v50 =	vand.u32 $0x38, v50;
	v48 =	vld.idx.msk [tilespmem:v48+s17+$0x0], $0xffff  }
0x169: {  	v39 =	vadd.f32 v39, v42;
	v44 =	vor.u32 v50, v27;
	v50 =	vor.u32 v53, v28  }
0x16a: {  	v41 =	vand.u32 $0x38, v41;
	v42 =	vand.u32 $0x38, v51;
	v51 =	vunpack.i.l.bf16.f32 v46  }
0x16b: {  	v54 =	vadd.f32 v38, v37;
	v42 =	vor.u32 v42, v30;
	v46 =	vunpack.i.u.bf16.f32 v46;
	v53 =	vld.idx.msk [tilespmem:v45+s17+$0x0], $0xffff  }
0x16c: {  	v38 =	vor.u32 v41, v32;
	v41 =	vunpack.i.u.bf16.f32 v40;
	v37 =	vld.idx.msk [tilespmem:v45+s18+$0x0], $0xffff;
	v45 =	vadd.f32 v51, v46  }
0x16d: {  	v40 =	vunpack.i.l.bf16.f32 v40;
	v46 =	vadd.s32 s15, v16;
	v43 =	vmul.bf16 v43, v52  }
0x16e: {  	v35 =	vadd.f32 v39, v35;
	v52 =	vadd.s32 s15, v17;
	v48 =	vmul.bf16 v49, v48;
	v51 =	vld.idx.msk [tilespmem:v50+s18+$0x0], $0xffff  }
0x16f: {  	v39 =	vadd.s32 s15, v15;
	v52 =	vand.u32 $0x38, v52;
	v55 =	vunpack.i.u.bf16.f32 v43;
	v49 =	vld.idx.msk [tilespmem:v44+s18+$0x0], $0xffff  }
0x170: {  	v39 =	vand.u32 $0x38, v39;
	v52 =	vor.u32 v52, v33;
	v57 =	vunpack.i.l.bf16.f32 v48;
	v56 =	vld.idx.msk [tilespmem:v42+s18+$0x0], $0xffff  }
0x171: {  	v39 =	vor.u32 v39, v25;
	v46 =	vand.u32 $0x38, v46;
	v35 =	vadd.f32 v45, v35;
	v44 =	vld.idx.msk [tilespmem:v44+s17+$0x0], $0xffff  }
0x172: {  	v58 =	vor.u32 v46, v29;
	v45 =	vunpack.i.u.bf16.f32 v48;
	v37 =	vmul.bf16 v37, v53;
	v42 =	vld.idx.msk [tilespmem:v42+s17+$0x0], $0xffff  }
0x173: {  	v40 =	vadd.f32 v40, v41;
	v46 =	vand.u32 $0x38, v47;
	v41 =	vadd.f32 v57, v45;
	v48 =	vld.idx.msk [tilespmem:v50+s17+$0x0], $0xffff  }
0x174: {  	v43 =	vunpack.i.l.bf16.f32 v43;
	v45 =	vunpack.i.u.bf16.f32 v37;
	v37 =	vunpack.i.l.bf16.f32 v37;
	v50 =	vld.idx.msk [tilespmem:v38+s18+$0x0], $0xffff  }
0x175: {  	v57 =	vadd.f32 v40, v34;
	v47 =	vadd.f32 v37, v45;
	v37 =	vadd.s32 s15, v18;
	v53 =	vld.idx.msk [tilespmem:v38+s17+$0x0], $0xffff  }
0x176: {  	v59 =	vor.u32 v46, v31;
	v40 =	vadd.f32 v43, v55;
	v38 =	vand.u32 $0x38, v37;
	v34 =	vld.idx.msk [tilespmem:v52+s18+$0x0], $0xffff  }
0x177: {  	v43 =	vadd.s32 s15, v19;
	v45 =	vadd.f32 v41, v36;
	v46 =	vor.u32 v38, v27;
	v37 =	vld.idx.msk [tilespmem:v39+s18+$0x0], $0xffff  }
0x178: {  	v43 =	vand.u32 $0x38, v43;
	v36 =	vmul.bf16 v56, v42;
	v42 =	vadd.f32 v40, v54;
	v38 =	vld.idx.msk [tilespmem:v58+s18+$0x0], $0xffff  }
0x179: {  	v55 =	vadd.f32 v47, v57;
	v40 =	vor.u32 v43, v28;
	v43 =	vadd.s32 s15, v20;
	v41 =	vld.idx.msk [tilespmem:v39+s17+$0x0], $0xffff  }
.Ltmp6:
0x17a: {  	v48 =	vmul.bf16 v51, v48;
	v51 =	vadd.s32 s15, v21;
	v54 =	vunpack.i.u.bf16.f32 v36;
	v39 =	vld.idx.msk [tilespmem:v52+s17+$0x0], $0xffff;
	(pc) =	sbr.rel @p0 .LBB2_14-.Ltmp6, $4  }
0x17b: {  	v56 =	vand.u32 $0x38, v43;
	v36 =	vunpack.i.l.bf16.f32 v36;
	v52 =	vand.u32 $0x38, v51;
	v47 =	vld.idx.msk [tilespmem:v59+s18+$0x0], $0xffff  }
0x17c: {  	v57 =	vunpack.i.u.bf16.f32 v48;
	v51 =	vmul.bf16 v50, v53;
	v36 =	vadd.f32 v36, v54;
	v50 =	vld.idx.msk [tilespmem:v59+s17+$0x0], $0xffff  }
0x17d: {  	v43 =	vadd.s32 s15, v23;
	v53 =	vmul.bf16 v49, v44;
	v48 =	vunpack.i.l.bf16.f32 v48;
	v44 =	vld.idx.msk [tilespmem:v46+s18+$0x0], $0xffff  }
0x17e: {  	v54 =	vadd.f32 v48, v57;
	v48 =	vor.u32 v56, v32;
	v36 =	vadd.f32 v36, v55;
	v49 =	vld.idx.msk [tilespmem:v58+s17+$0x0], $0xffff  }
0x17f: {  	_ = 	snop  }
0x180: {  	v26 =	vunpack.i.u.bf16.f32 v53;
	v27 =	vunpack.i.u.bf16.f32 v51  }
0x181: {  	v28 =	vor.u32 v52, v30;
	v62 =	vunpack.i.l.bf16.f32 v53;
	v33 =	vunpack.i.l.bf16.f32 v51  }
0x182: {  	v63 =	vadd.s32 s15, v24;
	v55 =	vmul.bf16 v37, v41;
	v59 =	vand.u32 $0x38, v43  }
0x183: {  	v32 =	vld.idx.msk [tilespmem:v46+s17+$0x0], $0xffff;
	v34 =	vmul.bf16 v34, v39;
	v42 =	vadd.f32 v54, v42;
	v26 =	vadd.f32 v62, v26  }
0x184: {  	v51 =	vld.idx.msk [tilespmem:v40+s17+$0x0], $0xffff;
	v27 =	vadd.f32 v33, v27;
	v52 =	vand.u32 $0x38, v63;
	v54 =	vadd.s32 s15, v22  }
0x185: {  	v56 =	vld.idx.msk [tilespmem:v40+s18+$0x0], $0xffff;
	v25 =	vor.u32 v59, v25;
	v53 =	vmul.bf16 v47, v50;
	v29 =	vor.u32 v52, v29  }
0x186: {  	v58 =	vld.idx.msk [tilespmem:v48+s18+$0x0], $0xffff;
	v57 =	vand.u32 $0x38, v54;
	v63 =	vunpack.i.l.bf16.f32 v55;
	v30 =	vunpack.i.u.bf16.f32 v55  }
0x187: {  	v47 =	vld.idx.msk [tilespmem:v48+s17+$0x0], $0xffff;
	v26 =	vadd.f32 v26, v45;
	v31 =	vor.u32 v57, v31;
	v27 =	vadd.f32 v27, v35  }
0x188: {  	v30 =	vadd.f32 v63, v30;
	v38 =	vmul.bf16 v38, v49;
	v60 =	vunpack.i.u.bf16.f32 v53;
	v61 =	vld.idx.msk [tilespmem:v28+s18+$0x0], $0xffff  }
0x189: {  	v33 =	vunpack.i.l.bf16.f32 v53;
	v49 =	vunpack.i.u.bf16.f32 v34;
	v34 =	vunpack.i.l.bf16.f32 v34;
	v28 =	vld.idx.msk [tilespmem:v28+s17+$0x0], $0xffff  }
0x18a: {  	v32 =	vmul.bf16 v44, v32;
	v34 =	vadd.f32 v34, v49;
	v53 =	vmul.bf16 v56, v51;
	v54 =	vld.idx.msk [tilespmem:v25+s17+$0x0], $0xffff  }
0x18b: {  	v33 =	vadd.f32 v33, v60;
	v62 =	vunpack.i.u.bf16.f32 v38;
	v38 =	vunpack.i.l.bf16.f32 v38;
	v25 =	vld.idx.msk [tilespmem:v25+s18+$0x0], $0xffff  }
0x18c: {  	v30 =	vadd.f32 v30, v42;
	v48 =	vld.idx.msk [tilespmem:v29+s18+$0x0], $0xffff;
	v38 =	vadd.f32 v38, v62;
	v50 =	vunpack.i.l.bf16.f32 v32  }
0x18d: {  	v29 =	vld.idx.msk [tilespmem:v29+s17+$0x0], $0xffff;
	v32 =	vunpack.i.u.bf16.f32 v32;
	v34 =	vadd.f32 v34, v36;
	v55 =	vunpack.i.u.bf16.f32 v53  }
0x18e: {  	v35 =	vunpack.i.l.bf16.f32 v53;
	v56 =	vmul.bf16 v58, v47;
	v26 =	vadd.f32 v33, v26;
	v52 =	vld.idx.msk [tilespmem:v31+s18+$0x0], $0xffff  }
0x18f: {  	v32 =	vadd.f32 v50, v32;
	v31 =	vld.idx.msk [tilespmem:v31+s17+$0x0], $0xffff;
	v35 =	vadd.f32 v35, v55  }
0x190: {  	v27 =	vadd.f32 v38, v27;
	v57 =	vunpack.i.u.bf16.f32 v56;
	v58 =	vunpack.i.l.bf16.f32 v56  }
0x191: {  	v28 =	vmul.bf16 v61, v28;
	v26 =	vadd.f32 v32, v26;
	v59 =	vadd.f32 v58, v57  }
0x192: {  	v30 =	vadd.f32 v35, v30;
	v25 =	vmul.bf16 v25, v54;
	v29 =	vmul.bf16 v48, v29  }
0x193: {  	v61 =	vunpack.i.u.bf16.f32 v28;
	v28 =	vunpack.i.l.bf16.f32 v28;
	v27 =	vadd.f32 v59, v27  }
0x194: {  	v31 =	vmul.bf16 v52, v31;
	v62 =	vunpack.i.u.bf16.f32 v25;
	v28 =	vadd.f32 v28, v61  }
0x195: {  	v25 =	vunpack.i.l.bf16.f32 v25;
	v60 =	vunpack.i.l.bf16.f32 v29;
	v29 =	vunpack.i.u.bf16.f32 v29  }
0x196: {  	v25 =	vadd.f32 v25, v62;
	v63 =	vunpack.i.l.bf16.f32 v31;
	v31 =	vunpack.i.u.bf16.f32 v31  }
0x197: {  	v29 =	vadd.f32 v60, v29;
	v31 =	vadd.f32 v63, v31  }
0x198: {  	v28 =	vadd.f32 v28, v34;
	v25 =	vadd.f32 v25, v30  }
0x199: {  	v27 =	vadd.f32 v29, v27;
	v26 =	vadd.f32 v31, v26;
	_ =	sdelay $0x1  }
0x19a: {  	v25 =	vadd.f32 v27, v25;
	v26 =	vadd.f32 v26, v28;
	_ =	sdelay $0x1  }
0x19b: {  	v25 =	vadd.f32 v25, v26;
	_ =	sdelay $0x1  }
0x19c: {  	v25 =	vsub.f32 $0.0e+00, v25;
	_ =	sdelay $0x1  }
0x19d: {  	v25 =	vmul.f32 $1.442695020e+00, v25;
	_ =	sdelay $0x1  }
0x19e: {  	(erf) = vpow2.f32 v25;
	_ =	sdelay $0x8  }
0x19f: {  	v25 =	vpop (erf)  }
0x1a0: {  	v25 =	vadd.f32 $1.000000000e+00, v25;
	_ =	sdelay $0x1  }
0x1a1: {  	(erf) = vrcp.f32 v25;
	_ =	sdelay $0x3  }
0x1a2: {  	s1 =	sadd.s32 $0x1, s1  }
0x1a3: {  	p0 =	sne.s32 s1, $0x5  }
.Ltmp7:
0x1a4: {  	_ = 	snop;
	(pc) =	sbr.rel @p0 .LBB2_13-.Ltmp7, $3  }
0x1a5: {  	_ =	sdelay $0x1  }
0x1a6: {  	v25 =	vpop (erf)  }
0x1a7: {  	[tilespmem:s19+$0x2710] =	vst v25  }
0x1a8: {  	[hbm4b:s11+s3] =	stream.linear.scatter [tilespmem:s23], [sflag:$0x1], $0x50, $0x38;
	[tilespmem:$0x13B00] =	vst v63  }
0x1a9: {  	s29 =	sadd.s32 $0x1, s29  }
0x1aa: {  	_ =	swait.ge [sflag:s26], $0x50;
	p0 =	sne.s32 s29, s12  }
.Ltmp8:
0x1ab: {  	[sflag:s26] =	ssyncset.done $0x0;
	(pc) =	sbr.rel @p0 .LBB2_1-.Ltmp8, $4  }
0x1ac: {  	[sflag:s26] =	ssyncadd.s32 $0xFFFFFFB0  }
0x1ad: {  	_ =	swait.ge [sflag:s28], $0x50  }
0x1ae: {  	[sflag:s28] =	ssyncset.done $0x0  }
0x1af: {  	[sflag:s28] =	ssyncadd.s32 $0xFFFFFFB0  }
0x1b0: {  	_ =	sfence.sel $0x180000  }
0x1b1: {  	[bflag:$0x0] =	sbarrier.arrive $0xFFFF  }
0x1b2: {  	_ =	strace $0x90000047  }
0x1b3: {  	s0 =	stileid.u32;
	[bflag:$0x2] =	sbarrier.arrive $0xFFFF  }
0x1b4: {  	p0 =	sne.s32 s0, $0x0;
	s0 =	rddreg [dreg:$0x3]  }
0x1b5: {  	s0 =	sadd.s32 @!p0 $0x100000, s0  }
0x1b6: {  	[sflag:s0] =	ssyncadd.tile.s32 @!p0 $0x1;
	_ =	shalt  }
.Lfunc_end2:
_tile_overlayer_lowered:
.L_overlay_start_2:
0x1b7: {  	(tag) =	ssettag $0x2  }
0x1b8: {  	s0 =	rddreg [dreg:$0x0];
	s2 =	stileid.u32  }
0x1b9: {  	s1 =	rddreg [dreg:$0x1];
	p0 =	sne.s32 s2, $0x0  }
0x1ba: {  	s3 =	rddreg [dreg:$0x2];
	[bflag:$0x3] =	sbarrier.arrive $0xFFFF;
	s2 =	simm.s32 @!p0 $0x1C05  }
0x1bb: {  	[timem:s3], [sflag:s2] =	dma.local @!p0 [hbm:s0], s1  }
0x1bc: {  	s0 =	simm.s32 @!p0 $0x5  }
0x1bd: {  	_ =	swait.ge @!p0 [sflag:s0], s1  }
0x1be: {  	s1 =	ssub.s32 @!p0 $0x0, s1;
	[sflag:s0] =	ssyncset.done @!p0 $0x0  }
0x1bf: {  	[sflag:s0] =	ssyncadd.s32 @!p0 s1  }
0x1c0: {  	[bflag:$0x3] =	sbarrier.arrive $0xFFFF  }
0x1c1: {  	_ =	shalt  }

</sc_bundles>
